<compile_context>
chip_gen: v7x
topology: tpu7x:2x2x1
jax: 0.10.2.dev20260603
libtpu: 0.0.44.dev20260713+nightly
codegen_flags: <defaults>
</compile_context>

<pallas_src>
import jax
import jax.numpy as jnp
from jax import lax
from jax.experimental import pallas as pl
from jax.experimental.pallas import tpu as pltpu
from jax.experimental.pallas import tpu_sc as plsc

D_MODEL = 1024
NUM_CORES = 2
NUM_SUBCORES = 16
NUM_WORKERS = NUM_CORES * NUM_SUBCORES
CHUNK = 32
NBUF = 3


def _emb_body(tokens_hbm, table_hbm, out_hbm, idx_v, rows0, rows1, rows2, gsem, osem):
    b, s = tokens_hbm.shape
    b_per_w = (b * s) // NUM_WORKERS
    w_per_row = s // b_per_w
    nchunks = b_per_w // CHUNK
    wid = lax.axis_index("s") * NUM_CORES + lax.axis_index("c")
    row = wid // w_per_row
    col = (wid % w_per_row) * b_per_w
    bufs = (rows0, rows1, rows2)
    pltpu.sync_copy(tokens_hbm.at[row, pl.ds(col, b_per_w)], idx_v)

    def gather(c, buf):
        return pltpu.async_copy(
            table_hbm.at[idx_v.at[pl.ds(c * CHUNK, CHUNK)]], buf, gsem
        )

    def put(c, buf):
        return pltpu.async_copy(
            buf, out_hbm.at[row, pl.ds(col + c * CHUNK, CHUNK)], osem
        )

    grefs = {}
    for c in range(min(NBUF - 1, nchunks)):
        grefs[c] = gather(c, bufs[c % NBUF])
    pending = []
    for c in range(nchunks):
        grefs.pop(c).wait()
        pending.append(put(c, bufs[c % NBUF]))
        nxt = c + NBUF - 1
        if nxt < nchunks:
            if nxt >= NBUF:
                pending.pop(0).wait()
            grefs[nxt] = gather(nxt, bufs[nxt % NBUF])
    for o in pending:
        o.wait()


@jax.jit
def _embed(tokens, weight):
    b, s = tokens.shape
    run = pl.kernel(
        _emb_body,
        out_type=jax.ShapeDtypeStruct((b, s, D_MODEL), jnp.float32),
        mesh=plsc.VectorSubcoreMesh(core_axis_name="c", subcore_axis_name="s"),
        scratch_types=[
            pltpu.VMEM(((b * s) // NUM_WORKERS,), jnp.int32),
            pltpu.VMEM((CHUNK, D_MODEL), jnp.float32),
            pltpu.VMEM((CHUNK, D_MODEL), jnp.float32),
            pltpu.VMEM((CHUNK, D_MODEL), jnp.float32),
            pltpu.SemaphoreType.DMA,
            pltpu.SemaphoreType.DMA,
        ],
    )
    return run(tokens, weight)


def kernel(tokens, weight):
    return _embed(tokens.astype(jnp.int32), weight)

# --- scband reference (transcript-rebuilt; emitter-appended) ---
"""Pipeline reference for scband-token-embedding-37177236914339 (READ-ONLY COPY).

The authoritative reference and input builder live on the scoring server;
editing this copy changes nothing except your own understanding.
"""

import jax, jax.numpy as jnp
import numpy as np

VOCAB_SIZE = 100000
D_MODEL = 1024
PADDING_IDX = 1


def setup_inputs(seed: int = 0) -> dict:
    key = jax.random.key(seed)
    k_tok, k_w = jax.random.split(key)
    tokens = jax.random.randint(k_tok, (4, 4096), 0, VOCAB_SIZE, dtype=jnp.int64 if jax.config.jax_enable_x64 else jnp.int32)
    weight = jax.random.normal(k_w, (VOCAB_SIZE, D_MODEL), dtype=jnp.float32)
    # nn.Embedding with padding_idx=1 initializes that row to zeros
    weight = weight.at[PADDING_IDX].set(0.0)
    return {"tokens": tokens, "weight": weight}


def reference(tokens, weight):
    # TokenEmbedding behaves as nn.Embedding(vocab_size, d_model, padding_idx=1):
    # simple row gather; padding row contributes zeros.
    w = weight.at[PADDING_IDX].set(0.0)
    return jnp.take(w, tokens, axis=0)

if __name__ == "__main__":
    import jax
    _d = setup_inputs()
    print(jax.jit(kernel)(*tuple(_d.values())))

</pallas_src>

<mosaic_0001>
#map = affine_map<(d0, d1) -> (0, 0)>
#map1 = affine_map<(d0, d1) -> (0, 0, 0)>
module attributes {stable_mosaic.version = 14 : i64} {
  func.func @_emb_body(%arg0: i32, %arg1: i32, %arg2: memref<4x4096xi32, #tpu.memory_space<hbm>>, %arg3: memref<100000x1024xf32, #tpu.memory_space<hbm>>, %arg4: memref<4x4096x1024xf32, #tpu.memory_space<hbm>>, %arg5: memref<512xi32, #tpu.memory_space<vmem>>, %arg6: memref<32x1024xf32, #tpu.memory_space<vmem>>, %arg7: memref<32x1024xf32, #tpu.memory_space<vmem>>, %arg8: memref<32x1024xf32, #tpu.memory_space<vmem>>, %arg9: memref<!tpu.dma_semaphore, #tpu.memory_space<semaphore_mem>>, %arg10: memref<!tpu.dma_semaphore, #tpu.memory_space<semaphore_mem>>) attributes {dimension_semantics = [#tpu.dimension_semantics<core_parallel>, #tpu.dimension_semantics<subcore_parallel>], iteration_bounds = array<i64: 2, 16>, scalar_prefetch = 0 : i64, scratch_operands = 6 : i64, tpu.core_type = #tpu.core_type<sc_vector_subcore>, window_params = [{transform_indices = #map}, {transform_indices = #map}, {transform_indices = #map1}]} {
    %mul3A = arith.constant 2 : i32
    %mul3A_0 = arith.muli %arg1, %mul3A : i32
    %add3A = arith.addi %mul3A_0, %arg0 : i32
    %jit3A = arith.constant 8 : i32
    %div3A = arith.divsi %add3A, %jit3A : i32
    %sign3A = arith.constant 0 : i32
    %sign3A_1 = arith.cmpi sgt, %add3A, %sign3A : i32
    %sign3A_2 = arith.extui %sign3A_1 : i1 to i32
    %sign3A_3 = arith.constant 0 : i32
    %sign3A_4 = arith.cmpi slt, %add3A, %sign3A_3 : i32
    %sign3A_5 = arith.extui %sign3A_4 : i1 to i32
    %sign3A_6 = arith.subi %sign3A_2, %sign3A_5 : i32
    %sign3A_7 = arith.constant 0 : i32
    %sign3A_8 = arith.cmpi sgt, %jit3A, %sign3A_7 : i32
    %sign3A_9 = arith.extui %sign3A_8 : i1 to i32
    %sign3A_10 = arith.constant 0 : i32
    %sign3A_11 = arith.cmpi slt, %jit3A, %sign3A_10 : i32
    %sign3A_12 = arith.extui %sign3A_11 : i1 to i32
    %sign3A_13 = arith.subi %sign3A_9, %sign3A_12 : i32
    %ne3A = arith.cmpi ne, %sign3A_6, %sign3A_13 : i32
    %rem3A = arith.remsi %add3A, %jit3A : i32
    %ne3A_14 = arith.constant 0 : i32
    %ne3A_15 = arith.cmpi ne, %rem3A, %ne3A_14 : i32
    %and3A = arith.andi %ne3A, %ne3A_15 : i1
    %sub3A = arith.constant 1 : i32
    %sub3A_16 = arith.subi %div3A, %sub3A : i32
    %select_n3A = arith.select %and3A, %sub3A_16, %div3A : i32
    %jit3A_17 = arith.constant 8 : i32
    %eq3A = arith.constant 0 : i32
    %eq3A_18 = arith.cmpi eq, %jit3A_17, %eq3A : i32
    %jit3A_19 = arith.constant 1 : i32
    %select_n3A_20 = arith.select %eq3A_18, %jit3A_19, %jit3A_17 : i32
    %rem3A_21 = arith.remsi %add3A, %select_n3A_20 : i32
    %ne3A_22 = arith.constant 0 : i32
    %ne3A_23 = arith.cmpi ne, %rem3A_21, %ne3A_22 : i32
    %lt3A = arith.constant 0 : i32
    %lt3A_24 = arith.cmpi slt, %rem3A_21, %lt3A : i32
    %lt3A_25 = arith.constant 0 : i32
    %lt3A_26 = arith.cmpi slt, %select_n3A_20, %lt3A_25 : i32
    %ne3A_27 = arith.xori %lt3A_24, %lt3A_26 : i1
    %and3A_28 = arith.andi %ne3A_27, %ne3A_23 : i1
    %add3A_29 = arith.addi %rem3A_21, %select_n3A_20 : i32
    %select_n3A_30 = arith.select %and3A_28, %add3A_29, %rem3A_21 : i32
    %mul3A_31 = arith.constant 512 : i32
    %mul3A_32 = arith.muli %select_n3A_30, %mul3A_31 : i32
    "tpu.region"() ({
      %run_scoped3A = tpu.sem_alloc : memref<!tpu.dma_semaphore, #tpu.memory_space<semaphore_mem>>
      %dma_start3A_415 = tpu.memref_slice %arg2[%select_n3A, %mul3A_32] : memref<4x4096xi32, #tpu.memory_space<hbm>> -> memref<1x512xi32, #tpu.memory_space<hbm>>
      %dma_start3A_416 = tpu.memref_squeeze %dma_start3A_415 : memref<1x512xi32, #tpu.memory_space<hbm>> -> memref<512xi32, #tpu.memory_space<hbm>>
      %dma_start3A_417 = tpu.memref_slice %arg2[%select_n3A, %mul3A_32] : memref<4x4096xi32, #tpu.memory_space<hbm>> -> memref<1x512xi32, #tpu.memory_space<hbm>>
      %dma_start3A_418 = tpu.memref_squeeze %dma_start3A_417 : memref<1x512xi32, #tpu.memory_space<hbm>> -> memref<512xi32, #tpu.memory_space<hbm>>
      tpu.enqueue_dma source(%dma_start3A_418 : memref<512xi32, #tpu.memory_space<hbm>>) target(%arg5 : memref<512xi32, #tpu.memory_space<vmem>>) target_semaphore(%run_scoped3A : memref<!tpu.dma_semaphore, #tpu.memory_space<semaphore_mem>>)
      %dma_wait3A_419 = tpu.memref_slice %arg2[%select_n3A, %mul3A_32] : memref<4x4096xi32, #tpu.memory_space<hbm>> -> memref<1x512xi32, #tpu.memory_space<hbm>>
      %dma_wait3A_420 = tpu.memref_squeeze %dma_wait3A_419 : memref<1x512xi32, #tpu.memory_space<hbm>> -> memref<512xi32, #tpu.memory_space<hbm>>
      %dma_wait3A_421 = tpu.memref_slice %arg2[%select_n3A, %mul3A_32] : memref<4x4096xi32, #tpu.memory_space<hbm>> -> memref<1x512xi32, #tpu.memory_space<hbm>>
      %dma_wait3A_422 = tpu.memref_squeeze %dma_wait3A_421 : memref<1x512xi32, #tpu.memory_space<hbm>> -> memref<512xi32, #tpu.memory_space<hbm>>
      tpu.wait_dma2 semaphore(%run_scoped3A : memref<!tpu.dma_semaphore, #tpu.memory_space<semaphore_mem>>) src(%dma_wait3A_422 : memref<512xi32, #tpu.memory_space<hbm>>) dst(%arg5 : memref<512xi32, #tpu.memory_space<vmem>>)
      tpu.yield
    }) : () -> ()
    %dma_start3A = arith.constant 0 : i32
    %dma_start3A_33 = tpu.memref_slice %arg5[%dma_start3A] : memref<512xi32, #tpu.memory_space<vmem>> -> memref<32xi32, #tpu.memory_space<vmem>>
    %dma_start3A_34 = arith.constant 0 : i32
    %dma_start3A_35 = arith.constant 0 : i32
    %dma_start3A_36 = tpu.memref_slice %arg3[%dma_start3A_34, %dma_start3A_35] : memref<100000x1024xf32, #tpu.memory_space<hbm>> -> memref<100000x1024xf32, #tpu.memory_space<hbm>>
    tpu.enqueue_indirect_dma source(%dma_start3A_36 : memref<100000x1024xf32, #tpu.memory_space<hbm>>) target(%arg6 : memref<32x1024xf32, #tpu.memory_space<vmem>>) offsets(%dma_start3A_33 : memref<32xi32, #tpu.memory_space<vmem>>) semaphore(%arg9 : memref<!tpu.dma_semaphore, #tpu.memory_space<semaphore_mem>>)
    %dma_start3A_37 = arith.constant 32 : i32
    %dma_start3A_38 = tpu.memref_slice %arg5[%dma_start3A_37] : memref<512xi32, #tpu.memory_space<vmem>> -> memref<32xi32, #tpu.memory_space<vmem>>
    %dma_start3A_39 = arith.constant 0 : i32
    %dma_start3A_40 = arith.constant 0 : i32
    %dma_start3A_41 = tpu.memref_slice %arg3[%dma_start3A_39, %dma_start3A_40] : memref<100000x1024xf32, #tpu.memory_space<hbm>> -> memref<100000x1024xf32, #tpu.memory_space<hbm>>
    tpu.enqueue_indirect_dma source(%dma_start3A_41 : memref<100000x1024xf32, #tpu.memory_space<hbm>>) target(%arg7 : memref<32x1024xf32, #tpu.memory_space<vmem>>) offsets(%dma_start3A_38 : memref<32xi32, #tpu.memory_space<vmem>>) semaphore(%arg9 : memref<!tpu.dma_semaphore, #tpu.memory_space<semaphore_mem>>)
    %dma_wait3A = arith.constant 0 : i32
    %dma_wait3A_42 = tpu.memref_slice %arg5[%dma_wait3A] : memref<512xi32, #tpu.memory_space<vmem>> -> memref<32xi32, #tpu.memory_space<vmem>>
    %dma_wait3A_43 = arith.constant 0 : i32
    %dma_wait3A_44 = arith.constant 0 : i32
    %dma_wait3A_45 = tpu.memref_slice %arg3[%dma_wait3A_43, %dma_wait3A_44] : memref<100000x1024xf32, #tpu.memory_space<hbm>> -> memref<100000x1024xf32, #tpu.memory_space<hbm>>
    tpu.wait_indirect_dma semaphore(%arg9 : memref<!tpu.dma_semaphore, #tpu.memory_space<semaphore_mem>>) src(%dma_wait3A_45 : memref<100000x1024xf32, #tpu.memory_space<hbm>>) dst(%arg6 : memref<32x1024xf32, #tpu.memory_space<vmem>>)
    %add3A_46 = arith.constant 0 : i32
    %add3A_47 = arith.addi %mul3A_32, %add3A_46 : i32
    %dma_start3A_48 = arith.constant 0 : i32
    %dma_start3A_49 = tpu.memref_slice %arg4[%select_n3A, %add3A_47, %dma_start3A_48] : memref<4x4096x1024xf32, #tpu.memory_space<hbm>> -> memref<1x32x1024xf32, #tpu.memory_space<hbm>>
    %dma_start3A_50 = tpu.memref_squeeze %dma_start3A_49 : memref<1x32x1024xf32, #tpu.memory_space<hbm>> -> memref<32x1024xf32, #tpu.memory_space<hbm>>
    %dma_start3A_51 = arith.constant 0 : i32
    %dma_start3A_52 = tpu.memref_slice %arg4[%select_n3A, %add3A_47, %dma_start3A_51] : memref<4x4096x1024xf32, #tpu.memory_space<hbm>> -> memref<1x32x1024xf32, #tpu.memory_space<hbm>>
    %dma_start3A_53 = tpu.memref_squeeze %dma_start3A_52 : memref<1x32x1024xf32, #tpu.memory_space<hbm>> -> memref<32x1024xf32, #tpu.memory_space<hbm>>
    tpu.enqueue_dma source(%arg6 : memref<32x1024xf32, #tpu.memory_space<vmem>>) target(%dma_start3A_53 : memref<32x1024xf32, #tpu.memory_space<hbm>>) target_semaphore(%arg10 : memref<!tpu.dma_semaphore, #tpu.memory_space<semaphore_mem>>)
    %dma_start3A_54 = arith.constant 64 : i32
    %dma_start3A_55 = tpu.memref_slice %arg5[%dma_start3A_54] : memref<512xi32, #tpu.memory_space<vmem>> -> memref<32xi32, #tpu.memory_space<vmem>>
    %dma_start3A_56 = arith.constant 0 : i32
    %dma_start3A_57 = arith.constant 0 : i32
    %dma_start3A_58 = tpu.memref_slice %arg3[%dma_start3A_56, %dma_start3A_57] : memref<100000x1024xf32, #tpu.memory_space<hbm>> -> memref<100000x1024xf32, #tpu.memory_space<hbm>>
    tpu.enqueue_indirect_dma source(%dma_start3A_58 : memref<100000x1024xf32, #tpu.memory_space<hbm>>) target(%arg8 : memref<32x1024xf32, #tpu.memory_space<vmem>>) offsets(%dma_start3A_55 : memref<32xi32, #tpu.memory_space<vmem>>) semaphore(%arg9 : memref<!tpu.dma_semaphore, #tpu.memory_space<semaphore_mem>>)
    %dma_wait3A_59 = arith.constant 32 : i32
    %dma_wait3A_60 = tpu.memref_slice %arg5[%dma_wait3A_59] : memref<512xi32, #tpu.memory_space<vmem>> -> memref<32xi32, #tpu.memory_space<vmem>>
    %dma_wait3A_61 = arith.constant 0 : i32
    %dma_wait3A_62 = arith.constant 0 : i32
    %dma_wait3A_63 = tpu.memref_slice %arg3[%dma_wait3A_61, %dma_wait3A_62] : memref<100000x1024xf32, #tpu.memory_space<hbm>> -> memref<100000x1024xf32, #tpu.memory_space<hbm>>
    tpu.wait_indirect_dma semaphore(%arg9 : memref<!tpu.dma_semaphore, #tpu.memory_space<semaphore_mem>>) src(%dma_wait3A_63 : memref<100000x1024xf32, #tpu.memory_space<hbm>>) dst(%arg7 : memref<32x1024xf32, #tpu.memory_space<vmem>>)
    %add3A_64 = arith.constant 32 : i32
    %add3A_65 = arith.addi %mul3A_32, %add3A_64 : i32
    %dma_start3A_66 = arith.constant 0 : i32
    %dma_start3A_67 = tpu.memref_slice %arg4[%select_n3A, %add3A_65, %dma_start3A_66] : memref<4x4096x1024xf32, #tpu.memory_space<hbm>> -> memref<1x32x1024xf32, #tpu.memory_space<hbm>>
    %dma_start3A_68 = tpu.memref_squeeze %dma_start3A_67 : memref<1x32x1024xf32, #tpu.memory_space<hbm>> -> memref<32x1024xf32, #tpu.memory_space<hbm>>
    %dma_start3A_69 = arith.constant 0 : i32
    %dma_start3A_70 = tpu.memref_slice %arg4[%select_n3A, %add3A_65, %dma_start3A_69] : memref<4x4096x1024xf32, #tpu.memory_space<hbm>> -> memref<1x32x1024xf32, #tpu.memory_space<hbm>>
    %dma_start3A_71 = tpu.memref_squeeze %dma_start3A_70 : memref<1x32x1024xf32, #tpu.memory_space<hbm>> -> memref<32x1024xf32, #tpu.memory_space<hbm>>
    tpu.enqueue_dma source(%arg7 : memref<32x1024xf32, #tpu.memory_space<vmem>>) target(%dma_start3A_71 : memref<32x1024xf32, #tpu.memory_space<hbm>>) target_semaphore(%arg10 : memref<!tpu.dma_semaphore, #tpu.memory_space<semaphore_mem>>)
    %dma_wait3A_72 = arith.constant 0 : i32
    %dma_wait3A_73 = tpu.memref_slice %arg4[%select_n3A, %add3A_47, %dma_wait3A_72] : memref<4x4096x1024xf32, #tpu.memory_space<hbm>> -> memref<1x32x1024xf32, #tpu.memory_space<hbm>>
    %dma_wait3A_74 = tpu.memref_squeeze %dma_wait3A_73 : memref<1x32x1024xf32, #tpu.memory_space<hbm>> -> memref<32x1024xf32, #tpu.memory_space<hbm>>
    %dma_wait3A_75 = arith.constant 0 : i32
    %dma_wait3A_76 = tpu.memref_slice %arg4[%select_n3A, %add3A_47, %dma_wait3A_75] : memref<4x4096x1024xf32, #tpu.memory_space<hbm>> -> memref<1x32x1024xf32, #tpu.memory_space<hbm>>
    %dma_wait3A_77 = tpu.memref_squeeze %dma_wait3A_76 : memref<1x32x1024xf32, #tpu.memory_space<hbm>> -> memref<32x1024xf32, #tpu.memory_space<hbm>>
    tpu.wait_dma2 semaphore(%arg10 : memref<!tpu.dma_semaphore, #tpu.memory_space<semaphore_mem>>) src(%arg6 : memref<32x1024xf32, #tpu.memory_space<vmem>>) dst(%dma_wait3A_77 : memref<32x1024xf32, #tpu.memory_space<hbm>>)
    %dma_start3A_78 = arith.constant 96 : i32
    %dma_start3A_79 = tpu.memref_slice %arg5[%dma_start3A_78] : memref<512xi32, #tpu.memory_space<vmem>> -> memref<32xi32, #tpu.memory_space<vmem>>
    %dma_start3A_80 = arith.constant 0 : i32
    %dma_start3A_81 = arith.constant 0 : i32
    %dma_start3A_82 = tpu.memref_slice %arg3[%dma_start3A_80, %dma_start3A_81] : memref<100000x1024xf32, #tpu.memory_space<hbm>> -> memref<100000x1024xf32, #tpu.memory_space<hbm>>
    tpu.enqueue_indirect_dma source(%dma_start3A_82 : memref<100000x1024xf32, #tpu.memory_space<hbm>>) target(%arg6 : memref<32x1024xf32, #tpu.memory_space<vmem>>) offsets(%dma_start3A_79 : memref<32xi32, #tpu.memory_space<vmem>>) semaphore(%arg9 : memref<!tpu.dma_semaphore, #tpu.memory_space<semaphore_mem>>)
    %dma_wait3A_83 = arith.constant 64 : i32
    %dma_wait3A_84 = tpu.memref_slice %arg5[%dma_wait3A_83] : memref<512xi32, #tpu.memory_space<vmem>> -> memref<32xi32, #tpu.memory_space<vmem>>
    %dma_wait3A_85 = arith.constant 0 : i32
    %dma_wait3A_86 = arith.constant 0 : i32
    %dma_wait3A_87 = tpu.memref_slice %arg3[%dma_wait3A_85, %dma_wait3A_86] : memref<100000x1024xf32, #tpu.memory_space<hbm>> -> memref<100000x1024xf32, #tpu.memory_space<hbm>>
    tpu.wait_indirect_dma semaphore(%arg9 : memref<!tpu.dma_semaphore, #tpu.memory_space<semaphore_mem>>) src(%dma_wait3A_87 : memref<100000x1024xf32, #tpu.memory_space<hbm>>) dst(%arg8 : memref<32x1024xf32, #tpu.memory_space<vmem>>)
    %add3A_88 = arith.constant 64 : i32
    %add3A_89 = arith.addi %mul3A_32, %add3A_88 : i32
    %dma_start3A_90 = arith.constant 0 : i32
    %dma_start3A_91 = tpu.memref_slice %arg4[%select_n3A, %add3A_89, %dma_start3A_90] : memref<4x4096x1024xf32, #tpu.memory_space<hbm>> -> memref<1x32x1024xf32, #tpu.memory_space<hbm>>
    %dma_start3A_92 = tpu.memref_squeeze %dma_start3A_91 : memref<1x32x1024xf32, #tpu.memory_space<hbm>> -> memref<32x1024xf32, #tpu.memory_space<hbm>>
    %dma_start3A_93 = arith.constant 0 : i32
    %dma_start3A_94 = tpu.memref_slice %arg4[%select_n3A, %add3A_89, %dma_start3A_93] : memref<4x4096x1024xf32, #tpu.memory_space<hbm>> -> memref<1x32x1024xf32, #tpu.memory_space<hbm>>
    %dma_start3A_95 = tpu.memref_squeeze %dma_start3A_94 : memref<1x32x1024xf32, #tpu.memory_space<hbm>> -> memref<32x1024xf32, #tpu.memory_space<hbm>>
    tpu.enqueue_dma source(%arg8 : memref<32x1024xf32, #tpu.memory_space<vmem>>) target(%dma_start3A_95 : memref<32x1024xf32, #tpu.memory_space<hbm>>) target_semaphore(%arg10 : memref<!tpu.dma_semaphore, #tpu.memory_space<semaphore_mem>>)
    %dma_wait3A_96 = arith.constant 0 : i32
    %dma_wait3A_97 = tpu.memref_slice %arg4[%select_n3A, %add3A_65, %dma_wait3A_96] : memref<4x4096x1024xf32, #tpu.memory_space<hbm>> -> memref<1x32x1024xf32, #tpu.memory_space<hbm>>
    %dma_wait3A_98 = tpu.memref_squeeze %dma_wait3A_97 : memref<1x32x1024xf32, #tpu.memory_space<hbm>> -> memref<32x1024xf32, #tpu.memory_space<hbm>>
    %dma_wait3A_99 = arith.constant 0 : i32
    %dma_wait3A_100 = tpu.memref_slice %arg4[%select_n3A, %add3A_65, %dma_wait3A_99] : memref<4x4096x1024xf32, #tpu.memory_space<hbm>> -> memref<1x32x1024xf32, #tpu.memory_space<hbm>>
    %dma_wait3A_101 = tpu.memref_squeeze %dma_wait3A_100 : memref<1x32x1024xf32, #tpu.memory_space<hbm>> -> memref<32x1024xf32, #tpu.memory_space<hbm>>
    tpu.wait_dma2 semaphore(%arg10 : memref<!tpu.dma_semaphore, #tpu.memory_space<semaphore_mem>>) src(%arg7 : memref<32x1024xf32, #tpu.memory_space<vmem>>) dst(%dma_wait3A_101 : memref<32x1024xf32, #tpu.memory_space<hbm>>)
    %dma_start3A_102 = arith.constant 128 : i32
    %dma_start3A_103 = tpu.memref_slice %arg5[%dma_start3A_102] : memref<512xi32, #tpu.memory_space<vmem>> -> memref<32xi32, #tpu.memory_space<vmem>>
    %dma_start3A_104 = arith.constant 0 : i32
    %dma_start3A_105 = arith.constant 0 : i32
    %dma_start3A_106 = tpu.memref_slice %arg3[%dma_start3A_104, %dma_start3A_105] : memref<100000x1024xf32, #tpu.memory_space<hbm>> -> memref<100000x1024xf32, #tpu.memory_space<hbm>>
    tpu.enqueue_indirect_dma source(%dma_start3A_106 : memref<100000x1024xf32, #tpu.memory_space<hbm>>) target(%arg7 : memref<32x1024xf32, #tpu.memory_space<vmem>>) offsets(%dma_start3A_103 : memref<32xi32, #tpu.memory_space<vmem>>) semaphore(%arg9 : memref<!tpu.dma_semaphore, #tpu.memory_space<semaphore_mem>>)
    %dma_wait3A_107 = arith.constant 96 : i32
    %dma_wait3A_108 = tpu.memref_slice %arg5[%dma_wait3A_107] : memref<512xi32, #tpu.memory_space<vmem>> -> memref<32xi32, #tpu.memory_space<vmem>>
    %dma_wait3A_109 = arith.constant 0 : i32
    %dma_wait3A_110 = arith.constant 0 : i32
    %dma_wait3A_111 = tpu.memref_slice %arg3[%dma_wait3A_109, %dma_wait3A_110] : memref<100000x1024xf32, #tpu.memory_space<hbm>> -> memref<100000x1024xf32, #tpu.memory_space<hbm>>
    tpu.wait_indirect_dma semaphore(%arg9 : memref<!tpu.dma_semaphore, #tpu.memory_space<semaphore_mem>>) src(%dma_wait3A_111 : memref<100000x1024xf32, #tpu.memory_space<hbm>>) dst(%arg6 : memref<32x1024xf32, #tpu.memory_space<vmem>>)
    %add3A_112 = arith.constant 96 : i32
    %add3A_113 = arith.addi %mul3A_32, %add3A_112 : i32
    %dma_start3A_114 = arith.constant 0 : i32
    %dma_start3A_115 = tpu.memref_slice %arg4[%select_n3A, %add3A_113, %dma_start3A_114] : memref<4x4096x1024xf32, #tpu.memory_space<hbm>> -> memref<1x32x1024xf32, #tpu.memory_space<hbm>>
    %dma_start3A_116 = tpu.memref_squeeze %dma_start3A_115 : memref<1x32x1024xf32, #tpu.memory_space<hbm>> -> memref<32x1024xf32, #tpu.memory_space<hbm>>
    %dma_start3A_117 = arith.constant 0 : i32
    %dma_start3A_118 = tpu.memref_slice %arg4[%select_n3A, %add3A_113, %dma_start3A_117] : memref<4x4096x1024xf32, #tpu.memory_space<hbm>> -> memref<1x32x1024xf32, #tpu.memory_space<hbm>>
    %dma_start3A_119 = tpu.memref_squeeze %dma_start3A_118 : memref<1x32x1024xf32, #tpu.memory_space<hbm>> -> memref<32x1024xf32, #tpu.memory_space<hbm>>
    tpu.enqueue_dma source(%arg6 : memref<32x1024xf32, #tpu.memory_space<vmem>>) target(%dma_start3A_119 : memref<32x1024xf32, #tpu.memory_space<hbm>>) target_semaphore(%arg10 : memref<!tpu.dma_semaphore, #tpu.memory_space<semaphore_mem>>)
    %dma_wait3A_120 = arith.constant 0 : i32
    %dma_wait3A_121 = tpu.memref_slice %arg4[%select_n3A, %add3A_89, %dma_wait3A_120] : memref<4x4096x1024xf32, #tpu.memory_space<hbm>> -> memref<1x32x1024xf32, #tpu.memory_space<hbm>>
    %dma_wait3A_122 = tpu.memref_squeeze %dma_wait3A_121 : memref<1x32x1024xf32, #tpu.memory_space<hbm>> -> memref<32x1024xf32, #tpu.memory_space<hbm>>
    %dma_wait3A_123 = arith.constant 0 : i32
    %dma_wait3A_124 = tpu.memref_slice %arg4[%select_n3A, %add3A_89, %dma_wait3A_123] : memref<4x4096x1024xf32, #tpu.memory_space<hbm>> -> memref<1x32x1024xf32, #tpu.memory_space<hbm>>
    %dma_wait3A_125 = tpu.memref_squeeze %dma_wait3A_124 : memref<1x32x1024xf32, #tpu.memory_space<hbm>> -> memref<32x1024xf32, #tpu.memory_space<hbm>>
    tpu.wait_dma2 semaphore(%arg10 : memref<!tpu.dma_semaphore, #tpu.memory_space<semaphore_mem>>) src(%arg8 : memref<32x1024xf32, #tpu.memory_space<vmem>>) dst(%dma_wait3A_125 : memref<32x1024xf32, #tpu.memory_space<hbm>>)
    %dma_start3A_126 = arith.constant 160 : i32
    %dma_start3A_127 = tpu.memref_slice %arg5[%dma_start3A_126] : memref<512xi32, #tpu.memory_space<vmem>> -> memref<32xi32, #tpu.memory_space<vmem>>
    %dma_start3A_128 = arith.constant 0 : i32
    %dma_start3A_129 = arith.constant 0 : i32
    %dma_start3A_130 = tpu.memref_slice %arg3[%dma_start3A_128, %dma_start3A_129] : memref<100000x1024xf32, #tpu.memory_space<hbm>> -> memref<100000x1024xf32, #tpu.memory_space<hbm>>
    tpu.enqueue_indirect_dma source(%dma_start3A_130 : memref<100000x1024xf32, #tpu.memory_space<hbm>>) target(%arg8 : memref<32x1024xf32, #tpu.memory_space<vmem>>) offsets(%dma_start3A_127 : memref<32xi32, #tpu.memory_space<vmem>>) semaphore(%arg9 : memref<!tpu.dma_semaphore, #tpu.memory_space<semaphore_mem>>)
    %dma_wait3A_131 = arith.constant 128 : i32
    %dma_wait3A_132 = tpu.memref_slice %arg5[%dma_wait3A_131] : memref<512xi32, #tpu.memory_space<vmem>> -> memref<32xi32, #tpu.memory_space<vmem>>
    %dma_wait3A_133 = arith.constant 0 : i32
    %dma_wait3A_134 = arith.constant 0 : i32
    %dma_wait3A_135 = tpu.memref_slice %arg3[%dma_wait3A_133, %dma_wait3A_134] : memref<100000x1024xf32, #tpu.memory_space<hbm>> -> memref<100000x1024xf32, #tpu.memory_space<hbm>>
    tpu.wait_indirect_dma semaphore(%arg9 : memref<!tpu.dma_semaphore, #tpu.memory_space<semaphore_mem>>) src(%dma_wait3A_135 : memref<100000x1024xf32, #tpu.memory_space<hbm>>) dst(%arg7 : memref<32x1024xf32, #tpu.memory_space<vmem>>)
    %add3A_136 = arith.constant 128 : i32
    %add3A_137 = arith.addi %mul3A_32, %add3A_136 : i32
    %dma_start3A_138 = arith.constant 0 : i32
    %dma_start3A_139 = tpu.memref_slice %arg4[%select_n3A, %add3A_137, %dma_start3A_138] : memref<4x4096x1024xf32, #tpu.memory_space<hbm>> -> memref<1x32x1024xf32, #tpu.memory_space<hbm>>
    %dma_start3A_140 = tpu.memref_squeeze %dma_start3A_139 : memref<1x32x1024xf32, #tpu.memory_space<hbm>> -> memref<32x1024xf32, #tpu.memory_space<hbm>>
    %dma_start3A_141 = arith.constant 0 : i32
    %dma_start3A_142 = tpu.memref_slice %arg4[%select_n3A, %add3A_137, %dma_start3A_141] : memref<4x4096x1024xf32, #tpu.memory_space<hbm>> -> memref<1x32x1024xf32, #tpu.memory_space<hbm>>
    %dma_start3A_143 = tpu.memref_squeeze %dma_start3A_142 : memref<1x32x1024xf32, #tpu.memory_space<hbm>> -> memref<32x1024xf32, #tpu.memory_space<hbm>>
    tpu.enqueue_dma source(%arg7 : memref<32x1024xf32, #tpu.memory_space<vmem>>) target(%dma_start3A_143 : memref<32x1024xf32, #tpu.memory_space<hbm>>) target_semaphore(%arg10 : memref<!tpu.dma_semaphore, #tpu.memory_space<semaphore_mem>>)
    %dma_wait3A_144 = arith.constant 0 : i32
    %dma_wait3A_145 = tpu.memref_slice %arg4[%select_n3A, %add3A_113, %dma_wait3A_144] : memref<4x4096x1024xf32, #tpu.memory_space<hbm>> -> memref<1x32x1024xf32, #tpu.memory_space<hbm>>
    %dma_wait3A_146 = tpu.memref_squeeze %dma_wait3A_145 : memref<1x32x1024xf32, #tpu.memory_space<hbm>> -> memref<32x1024xf32, #tpu.memory_space<hbm>>
    %dma_wait3A_147 = arith.constant 0 : i32
    %dma_wait3A_148 = tpu.memref_slice %arg4[%select_n3A, %add3A_113, %dma_wait3A_147] : memref<4x4096x1024xf32, #tpu.memory_space<hbm>> -> memref<1x32x1024xf32, #tpu.memory_space<hbm>>
    %dma_wait3A_149 = tpu.memref_squeeze %dma_wait3A_148 : memref<1x32x1024xf32, #tpu.memory_space<hbm>> -> memref<32x1024xf32, #tpu.memory_space<hbm>>
    tpu.wait_dma2 semaphore(%arg10 : memref<!tpu.dma_semaphore, #tpu.memory_space<semaphore_mem>>) src(%arg6 : memref<32x1024xf32, #tpu.memory_space<vmem>>) dst(%dma_wait3A_149 : memref<32x1024xf32, #tpu.memory_space<hbm>>)
    %dma_start3A_150 = arith.constant 192 : i32
    %dma_start3A_151 = tpu.memref_slice %arg5[%dma_start3A_150] : memref<512xi32, #tpu.memory_space<vmem>> -> memref<32xi32, #tpu.memory_space<vmem>>
    %dma_start3A_152 = arith.constant 0 : i32
    %dma_start3A_153 = arith.constant 0 : i32
    %dma_start3A_154 = tpu.memref_slice %arg3[%dma_start3A_152, %dma_start3A_153] : memref<100000x1024xf32, #tpu.memory_space<hbm>> -> memref<100000x1024xf32, #tpu.memory_space<hbm>>
    tpu.enqueue_indirect_dma source(%dma_start3A_154 : memref<100000x1024xf32, #tpu.memory_space<hbm>>) target(%arg6 : memref<32x1024xf32, #tpu.memory_space<vmem>>) offsets(%dma_start3A_151 : memref<32xi32, #tpu.memory_space<vmem>>) semaphore(%arg9 : memref<!tpu.dma_semaphore, #tpu.memory_space<semaphore_mem>>)
    %dma_wait3A_155 = arith.constant 160 : i32
    %dma_wait3A_156 = tpu.memref_slice %arg5[%dma_wait3A_155] : memref<512xi32, #tpu.memory_space<vmem>> -> memref<32xi32, #tpu.memory_space<vmem>>
    %dma_wait3A_157 = arith.constant 0 : i32
    %dma_wait3A_158 = arith.constant 0 : i32
    %dma_wait3A_159 = tpu.memref_slice %arg3[%dma_wait3A_157, %dma_wait3A_158] : memref<100000x1024xf32, #tpu.memory_space<hbm>> -> memref<100000x1024xf32, #tpu.memory_space<hbm>>
    tpu.wait_indirect_dma semaphore(%arg9 : memref<!tpu.dma_semaphore, #tpu.memory_space<semaphore_mem>>) src(%dma_wait3A_159 : memref<100000x1024xf32, #tpu.memory_space<hbm>>) dst(%arg8 : memref<32x1024xf32, #tpu.memory_space<vmem>>)
    %add3A_160 = arith.constant 160 : i32
    %add3A_161 = arith.addi %mul3A_32, %add3A_160 : i32
    %dma_start3A_162 = arith.constant 0 : i32
    %dma_start3A_163 = tpu.memref_slice %arg4[%select_n3A, %add3A_161, %dma_start3A_162] : memref<4x4096x1024xf32, #tpu.memory_space<hbm>> -> memref<1x32x1024xf32, #tpu.memory_space<hbm>>
    %dma_start3A_164 = tpu.memref_squeeze %dma_start3A_163 : memref<1x32x1024xf32, #tpu.memory_space<hbm>> -> memref<32x1024xf32, #tpu.memory_space<hbm>>
    %dma_start3A_165 = arith.constant 0 : i32
    %dma_start3A_166 = tpu.memref_slice %arg4[%select_n3A, %add3A_161, %dma_start3A_165] : memref<4x4096x1024xf32, #tpu.memory_space<hbm>> -> memref<1x32x1024xf32, #tpu.memory_space<hbm>>
    %dma_start3A_167 = tpu.memref_squeeze %dma_start3A_166 : memref<1x32x1024xf32, #tpu.memory_space<hbm>> -> memref<32x1024xf32, #tpu.memory_space<hbm>>
    tpu.enqueue_dma source(%arg8 : memref<32x1024xf32, #tpu.memory_space<vmem>>) target(%dma_start3A_167 : memref<32x1024xf32, #tpu.memory_space<hbm>>) target_semaphore(%arg10 : memref<!tpu.dma_semaphore, #tpu.memory_space<semaphore_mem>>)
    %dma_wait3A_168 = arith.constant 0 : i32
    %dma_wait3A_169 = tpu.memref_slice %arg4[%select_n3A, %add3A_137, %dma_wait3A_168] : memref<4x4096x1024xf32, #tpu.memory_space<hbm>> -> memref<1x32x1024xf32, #tpu.memory_space<hbm>>
    %dma_wait3A_170 = tpu.memref_squeeze %dma_wait3A_169 : memref<1x32x1024xf32, #tpu.memory_space<hbm>> -> memref<32x1024xf32, #tpu.memory_space<hbm>>
    %dma_wait3A_171 = arith.constant 0 : i32
    %dma_wait3A_172 = tpu.memref_slice %arg4[%select_n3A, %add3A_137, %dma_wait3A_171] : memref<4x4096x1024xf32, #tpu.memory_space<hbm>> -> memref<1x32x1024xf32, #tpu.memory_space<hbm>>
    %dma_wait3A_173 = tpu.memref_squeeze %dma_wait3A_172 : memref<1x32x1024xf32, #tpu.memory_space<hbm>> -> memref<32x1024xf32, #tpu.memory_space<hbm>>
    tpu.wait_dma2 semaphore(%arg10 : memref<!tpu.dma_semaphore, #tpu.memory_space<semaphore_mem>>) src(%arg7 : memref<32x1024xf32, #tpu.memory_space<vmem>>) dst(%dma_wait3A_173 : memref<32x1024xf32, #tpu.memory_space<hbm>>)
    %dma_start3A_174 = arith.constant 224 : i32
    %dma_start3A_175 = tpu.memref_slice %arg5[%dma_start3A_174] : memref<512xi32, #tpu.memory_space<vmem>> -> memref<32xi32, #tpu.memory_space<vmem>>
    %dma_start3A_176 = arith.constant 0 : i32
    %dma_start3A_177 = arith.constant 0 : i32
    %dma_start3A_178 = tpu.memref_slice %arg3[%dma_start3A_176, %dma_start3A_177] : memref<100000x1024xf32, #tpu.memory_space<hbm>> -> memref<100000x1024xf32, #tpu.memory_space<hbm>>
    tpu.enqueue_indirect_dma source(%dma_start3A_178 : memref<100000x1024xf32, #tpu.memory_space<hbm>>) target(%arg7 : memref<32x1024xf32, #tpu.memory_space<vmem>>) offsets(%dma_start3A_175 : memref<32xi32, #tpu.memory_space<vmem>>) semaphore(%arg9 : memref<!tpu.dma_semaphore, #tpu.memory_space<semaphore_mem>>)
    %dma_wait3A_179 = arith.constant 192 : i32
    %dma_wait3A_180 = tpu.memref_slice %arg5[%dma_wait3A_179] : memref<512xi32, #tpu.memory_space<vmem>> -> memref<32xi32, #tpu.memory_space<vmem>>
    %dma_wait3A_181 = arith.constant 0 : i32
    %dma_wait3A_182 = arith.constant 0 : i32
    %dma_wait3A_183 = tpu.memref_slice %arg3[%dma_wait3A_181, %dma_wait3A_182] : memref<100000x1024xf32, #tpu.memory_space<hbm>> -> memref<100000x1024xf32, #tpu.memory_space<hbm>>
    tpu.wait_indirect_dma semaphore(%arg9 : memref<!tpu.dma_semaphore, #tpu.memory_space<semaphore_mem>>) src(%dma_wait3A_183 : memref<100000x1024xf32, #tpu.memory_space<hbm>>) dst(%arg6 : memref<32x1024xf32, #tpu.memory_space<vmem>>)
    %add3A_184 = arith.constant 192 : i32
    %add3A_185 = arith.addi %mul3A_32, %add3A_184 : i32
    %dma_start3A_186 = arith.constant 0 : i32
    %dma_start3A_187 = tpu.memref_slice %arg4[%select_n3A, %add3A_185, %dma_start3A_186] : memref<4x4096x1024xf32, #tpu.memory_space<hbm>> -> memref<1x32x1024xf32, #tpu.memory_space<hbm>>
    %dma_start3A_188 = tpu.memref_squeeze %dma_start3A_187 : memref<1x32x1024xf32, #tpu.memory_space<hbm>> -> memref<32x1024xf32, #tpu.memory_space<hbm>>
    %dma_start3A_189 = arith.constant 0 : i32
    %dma_start3A_190 = tpu.memref_slice %arg4[%select_n3A, %add3A_185, %dma_start3A_189] : memref<4x4096x1024xf32, #tpu.memory_space<hbm>> -> memref<1x32x1024xf32, #tpu.memory_space<hbm>>
    %dma_start3A_191 = tpu.memref_squeeze %dma_start3A_190 : memref<1x32x1024xf32, #tpu.memory_space<hbm>> -> memref<32x1024xf32, #tpu.memory_space<hbm>>
    tpu.enqueue_dma source(%arg6 : memref<32x1024xf32, #tpu.memory_space<vmem>>) target(%dma_start3A_191 : memref<32x1024xf32, #tpu.memory_space<hbm>>) target_semaphore(%arg10 : memref<!tpu.dma_semaphore, #tpu.memory_space<semaphore_mem>>)
    %dma_wait3A_192 = arith.constant 0 : i32
    %dma_wait3A_193 = tpu.memref_slice %arg4[%select_n3A, %add3A_161, %dma_wait3A_192] : memref<4x4096x1024xf32, #tpu.memory_space<hbm>> -> memref<1x32x1024xf32, #tpu.memory_space<hbm>>
    %dma_wait3A_194 = tpu.memref_squeeze %dma_wait3A_193 : memref<1x32x1024xf32, #tpu.memory_space<hbm>> -> memref<32x1024xf32, #tpu.memory_space<hbm>>
    %dma_wait3A_195 = arith.constant 0 : i32
    %dma_wait3A_196 = tpu.memref_slice %arg4[%select_n3A, %add3A_161, %dma_wait3A_195] : memref<4x4096x1024xf32, #tpu.memory_space<hbm>> -> memref<1x32x1024xf32, #tpu.memory_space<hbm>>
    %dma_wait3A_197 = tpu.memref_squeeze %dma_wait3A_196 : memref<1x32x1024xf32, #tpu.memory_space<hbm>> -> memref<32x1024xf32, #tpu.memory_space<hbm>>
    tpu.wait_dma2 semaphore(%arg10 : memref<!tpu.dma_semaphore, #tpu.memory_space<semaphore_mem>>) src(%arg8 : memref<32x1024xf32, #tpu.memory_space<vmem>>) dst(%dma_wait3A_197 : memref<32x1024xf32, #tpu.memory_space<hbm>>)
    %dma_start3A_198 = arith.constant 256 : i32
    %dma_start3A_199 = tpu.memref_slice %arg5[%dma_start3A_198] : memref<512xi32, #tpu.memory_space<vmem>> -> memref<32xi32, #tpu.memory_space<vmem>>
    %dma_start3A_200 = arith.constant 0 : i32
    %dma_start3A_201 = arith.constant 0 : i32
    %dma_start3A_202 = tpu.memref_slice %arg3[%dma_start3A_200, %dma_start3A_201] : memref<100000x1024xf32, #tpu.memory_space<hbm>> -> memref<100000x1024xf32, #tpu.memory_space<hbm>>
    tpu.enqueue_indirect_dma source(%dma_start3A_202 : memref<100000x1024xf32, #tpu.memory_space<hbm>>) target(%arg8 : memref<32x1024xf32, #tpu.memory_space<vmem>>) offsets(%dma_start3A_199 : memref<32xi32, #tpu.memory_space<vmem>>) semaphore(%arg9 : memref<!tpu.dma_semaphore, #tpu.memory_space<semaphore_mem>>)
    %dma_wait3A_203 = arith.constant 224 : i32
    %dma_wait3A_204 = tpu.memref_slice %arg5[%dma_wait3A_203] : memref<512xi32, #tpu.memory_space<vmem>> -> memref<32xi32, #tpu.memory_space<vmem>>
    %dma_wait3A_205 = arith.constant 0 : i32
    %dma_wait3A_206 = arith.constant 0 : i32
    %dma_wait3A_207 = tpu.memref_slice %arg3[%dma_wait3A_205, %dma_wait3A_206] : memref<100000x1024xf32, #tpu.memory_space<hbm>> -> memref<100000x1024xf32, #tpu.memory_space<hbm>>
    tpu.wait_indirect_dma semaphore(%arg9 : memref<!tpu.dma_semaphore, #tpu.memory_space<semaphore_mem>>) src(%dma_wait3A_207 : memref<100000x1024xf32, #tpu.memory_space<hbm>>) dst(%arg7 : memref<32x1024xf32, #tpu.memory_space<vmem>>)
    %add3A_208 = arith.constant 224 : i32
    %add3A_209 = arith.addi %mul3A_32, %add3A_208 : i32
    %dma_start3A_210 = arith.constant 0 : i32
    %dma_start3A_211 = tpu.memref_slice %arg4[%select_n3A, %add3A_209, %dma_start3A_210] : memref<4x4096x1024xf32, #tpu.memory_space<hbm>> -> memref<1x32x1024xf32, #tpu.memory_space<hbm>>
    %dma_start3A_212 = tpu.memref_squeeze %dma_start3A_211 : memref<1x32x1024xf32, #tpu.memory_space<hbm>> -> memref<32x1024xf32, #tpu.memory_space<hbm>>
    %dma_start3A_213 = arith.constant 0 : i32
    %dma_start3A_214 = tpu.memref_slice %arg4[%select_n3A, %add3A_209, %dma_start3A_213] : memref<4x4096x1024xf32, #tpu.memory_space<hbm>> -> memref<1x32x1024xf32, #tpu.memory_space<hbm>>
    %dma_start3A_215 = tpu.memref_squeeze %dma_start3A_214 : memref<1x32x1024xf32, #tpu.memory_space<hbm>> -> memref<32x1024xf32, #tpu.memory_space<hbm>>
    tpu.enqueue_dma source(%arg7 : memref<32x1024xf32, #tpu.memory_space<vmem>>) target(%dma_start3A_215 : memref<32x1024xf32, #tpu.memory_space<hbm>>) target_semaphore(%arg10 : memref<!tpu.dma_semaphore, #tpu.memory_space<semaphore_mem>>)
    %dma_wait3A_216 = arith.constant 0 : i32
    %dma_wait3A_217 = tpu.memref_slice %arg4[%select_n3A, %add3A_185, %dma_wait3A_216] : memref<4x4096x1024xf32, #tpu.memory_space<hbm>> -> memref<1x32x1024xf32, #tpu.memory_space<hbm>>
    %dma_wait3A_218 = tpu.memref_squeeze %dma_wait3A_217 : memref<1x32x1024xf32, #tpu.memory_space<hbm>> -> memref<32x1024xf32, #tpu.memory_space<hbm>>
    %dma_wait3A_219 = arith.constant 0 : i32
    %dma_wait3A_220 = tpu.memref_slice %arg4[%select_n3A, %add3A_185, %dma_wait3A_219] : memref<4x4096x1024xf32, #tpu.memory_space<hbm>> -> memref<1x32x1024xf32, #tpu.memory_space<hbm>>
    %dma_wait3A_221 = tpu.memref_squeeze %dma_wait3A_220 : memref<1x32x1024xf32, #tpu.memory_space<hbm>> -> memref<32x1024xf32, #tpu.memory_space<hbm>>
    tpu.wait_dma2 semaphore(%arg10 : memref<!tpu.dma_semaphore, #tpu.memory_space<semaphore_mem>>) src(%arg6 : memref<32x1024xf32, #tpu.memory_space<vmem>>) dst(%dma_wait3A_221 : memref<32x1024xf32, #tpu.memory_space<hbm>>)
    %dma_start3A_222 = arith.constant 288 : i32
    %dma_start3A_223 = tpu.memref_slice %arg5[%dma_start3A_222] : memref<512xi32, #tpu.memory_space<vmem>> -> memref<32xi32, #tpu.memory_space<vmem>>
    %dma_start3A_224 = arith.constant 0 : i32
    %dma_start3A_225 = arith.constant 0 : i32
    %dma_start3A_226 = tpu.memref_slice %arg3[%dma_start3A_224, %dma_start3A_225] : memref<100000x1024xf32, #tpu.memory_space<hbm>> -> memref<100000x1024xf32, #tpu.memory_space<hbm>>
    tpu.enqueue_indirect_dma source(%dma_start3A_226 : memref<100000x1024xf32, #tpu.memory_space<hbm>>) target(%arg6 : memref<32x1024xf32, #tpu.memory_space<vmem>>) offsets(%dma_start3A_223 : memref<32xi32, #tpu.memory_space<vmem>>) semaphore(%arg9 : memref<!tpu.dma_semaphore, #tpu.memory_space<semaphore_mem>>)
    %dma_wait3A_227 = arith.constant 256 : i32
    %dma_wait3A_228 = tpu.memref_slice %arg5[%dma_wait3A_227] : memref<512xi32, #tpu.memory_space<vmem>> -> memref<32xi32, #tpu.memory_space<vmem>>
    %dma_wait3A_229 = arith.constant 0 : i32
    %dma_wait3A_230 = arith.constant 0 : i32
    %dma_wait3A_231 = tpu.memref_slice %arg3[%dma_wait3A_229, %dma_wait3A_230] : memref<100000x1024xf32, #tpu.memory_space<hbm>> -> memref<100000x1024xf32, #tpu.memory_space<hbm>>
    tpu.wait_indirect_dma semaphore(%arg9 : memref<!tpu.dma_semaphore, #tpu.memory_space<semaphore_mem>>) src(%dma_wait3A_231 : memref<100000x1024xf32, #tpu.memory_space<hbm>>) dst(%arg8 : memref<32x1024xf32, #tpu.memory_space<vmem>>)
    %add3A_232 = arith.constant 256 : i32
    %add3A_233 = arith.addi %mul3A_32, %add3A_232 : i32
    %dma_start3A_234 = arith.constant 0 : i32
    %dma_start3A_235 = tpu.memref_slice %arg4[%select_n3A, %add3A_233, %dma_start3A_234] : memref<4x4096x1024xf32, #tpu.memory_space<hbm>> -> memref<1x32x1024xf32, #tpu.memory_space<hbm>>
    %dma_start3A_236 = tpu.memref_squeeze %dma_start3A_235 : memref<1x32x1024xf32, #tpu.memory_space<hbm>> -> memref<32x1024xf32, #tpu.memory_space<hbm>>
    %dma_start3A_237 = arith.constant 0 : i32
    %dma_start3A_238 = tpu.memref_slice %arg4[%select_n3A, %add3A_233, %dma_start3A_237] : memref<4x4096x1024xf32, #tpu.memory_space<hbm>> -> memref<1x32x1024xf32, #tpu.memory_space<hbm>>
    %dma_start3A_239 = tpu.memref_squeeze %dma_start3A_238 : memref<1x32x1024xf32, #tpu.memory_space<hbm>> -> memref<32x1024xf32, #tpu.memory_space<hbm>>
    tpu.enqueue_dma source(%arg8 : memref<32x1024xf32, #tpu.memory_space<vmem>>) target(%dma_start3A_239 : memref<32x1024xf32, #tpu.memory_space<hbm>>) target_semaphore(%arg10 : memref<!tpu.dma_semaphore, #tpu.memory_space<semaphore_mem>>)
    %dma_wait3A_240 = arith.constant 0 : i32
    %dma_wait3A_241 = tpu.memref_slice %arg4[%select_n3A, %add3A_209, %dma_wait3A_240] : memref<4x4096x1024xf32, #tpu.memory_space<hbm>> -> memref<1x32x1024xf32, #tpu.memory_space<hbm>>
    %dma_wait3A_242 = tpu.memref_squeeze %dma_wait3A_241 : memref<1x32x1024xf32, #tpu.memory_space<hbm>> -> memref<32x1024xf32, #tpu.memory_space<hbm>>
    %dma_wait3A_243 = arith.constant 0 : i32
    %dma_wait3A_244 = tpu.memref_slice %arg4[%select_n3A, %add3A_209, %dma_wait3A_243] : memref<4x4096x1024xf32, #tpu.memory_space<hbm>> -> memref<1x32x1024xf32, #tpu.memory_space<hbm>>
    %dma_wait3A_245 = tpu.memref_squeeze %dma_wait3A_244 : memref<1x32x1024xf32, #tpu.memory_space<hbm>> -> memref<32x1024xf32, #tpu.memory_space<hbm>>
    tpu.wait_dma2 semaphore(%arg10 : memref<!tpu.dma_semaphore, #tpu.memory_space<semaphore_mem>>) src(%arg7 : memref<32x1024xf32, #tpu.memory_space<vmem>>) dst(%dma_wait3A_245 : memref<32x1024xf32, #tpu.memory_space<hbm>>)
    %dma_start3A_246 = arith.constant 320 : i32
    %dma_start3A_247 = tpu.memref_slice %arg5[%dma_start3A_246] : memref<512xi32, #tpu.memory_space<vmem>> -> memref<32xi32, #tpu.memory_space<vmem>>
    %dma_start3A_248 = arith.constant 0 : i32
    %dma_start3A_249 = arith.constant 0 : i32
    %dma_start3A_250 = tpu.memref_slice %arg3[%dma_start3A_248, %dma_start3A_249] : memref<100000x1024xf32, #tpu.memory_space<hbm>> -> memref<100000x1024xf32, #tpu.memory_space<hbm>>
    tpu.enqueue_indirect_dma source(%dma_start3A_250 : memref<100000x1024xf32, #tpu.memory_space<hbm>>) target(%arg7 : memref<32x1024xf32, #tpu.memory_space<vmem>>) offsets(%dma_start3A_247 : memref<32xi32, #tpu.memory_space<vmem>>) semaphore(%arg9 : memref<!tpu.dma_semaphore, #tpu.memory_space<semaphore_mem>>)
    %dma_wait3A_251 = arith.constant 288 : i32
    %dma_wait3A_252 = tpu.memref_slice %arg5[%dma_wait3A_251] : memref<512xi32, #tpu.memory_space<vmem>> -> memref<32xi32, #tpu.memory_space<vmem>>
    %dma_wait3A_253 = arith.constant 0 : i32
    %dma_wait3A_254 = arith.constant 0 : i32
    %dma_wait3A_255 = tpu.memref_slice %arg3[%dma_wait3A_253, %dma_wait3A_254] : memref<100000x1024xf32, #tpu.memory_space<hbm>> -> memref<100000x1024xf32, #tpu.memory_space<hbm>>
    tpu.wait_indirect_dma semaphore(%arg9 : memref<!tpu.dma_semaphore, #tpu.memory_space<semaphore_mem>>) src(%dma_wait3A_255 : memref<100000x1024xf32, #tpu.memory_space<hbm>>) dst(%arg6 : memref<32x1024xf32, #tpu.memory_space<vmem>>)
    %add3A_256 = arith.constant 288 : i32
    %add3A_257 = arith.addi %mul3A_32, %add3A_256 : i32
    %dma_start3A_258 = arith.constant 0 : i32
    %dma_start3A_259 = tpu.memref_slice %arg4[%select_n3A, %add3A_257, %dma_start3A_258] : memref<4x4096x1024xf32, #tpu.memory_space<hbm>> -> memref<1x32x1024xf32, #tpu.memory_space<hbm>>
    %dma_start3A_260 = tpu.memref_squeeze %dma_start3A_259 : memref<1x32x1024xf32, #tpu.memory_space<hbm>> -> memref<32x1024xf32, #tpu.memory_space<hbm>>
    %dma_start3A_261 = arith.constant 0 : i32
    %dma_start3A_262 = tpu.memref_slice %arg4[%select_n3A, %add3A_257, %dma_start3A_261] : memref<4x4096x1024xf32, #tpu.memory_space<hbm>> -> memref<1x32x1024xf32, #tpu.memory_space<hbm>>
    %dma_start3A_263 = tpu.memref_squeeze %dma_start3A_262 : memref<1x32x1024xf32, #tpu.memory_space<hbm>> -> memref<32x1024xf32, #tpu.memory_space<hbm>>
    tpu.enqueue_dma source(%arg6 : memref<32x1024xf32, #tpu.memory_space<vmem>>) target(%dma_start3A_263 : memref<32x1024xf32, #tpu.memory_space<hbm>>) target_semaphore(%arg10 : memref<!tpu.dma_semaphore, #tpu.memory_space<semaphore_mem>>)
    %dma_wait3A_264 = arith.constant 0 : i32
    %dma_wait3A_265 = tpu.memref_slice %arg4[%select_n3A, %add3A_233, %dma_wait3A_264] : memref<4x4096x1024xf32, #tpu.memory_space<hbm>> -> memref<1x32x1024xf32, #tpu.memory_space<hbm>>
    %dma_wait3A_266 = tpu.memref_squeeze %dma_wait3A_265 : memref<1x32x1024xf32, #tpu.memory_space<hbm>> -> memref<32x1024xf32, #tpu.memory_space<hbm>>
    %dma_wait3A_267 = arith.constant 0 : i32
    %dma_wait3A_268 = tpu.memref_slice %arg4[%select_n3A, %add3A_233, %dma_wait3A_267] : memref<4x4096x1024xf32, #tpu.memory_space<hbm>> -> memref<1x32x1024xf32, #tpu.memory_space<hbm>>
    %dma_wait3A_269 = tpu.memref_squeeze %dma_wait3A_268 : memref<1x32x1024xf32, #tpu.memory_space<hbm>> -> memref<32x1024xf32, #tpu.memory_space<hbm>>
    tpu.wait_dma2 semaphore(%arg10 : memref<!tpu.dma_semaphore, #tpu.memory_space<semaphore_mem>>) src(%arg8 : memref<32x1024xf32, #tpu.memory_space<vmem>>) dst(%dma_wait3A_269 : memref<32x1024xf32, #tpu.memory_space<hbm>>)
    %dma_start3A_270 = arith.constant 352 : i32
    %dma_start3A_271 = tpu.memref_slice %arg5[%dma_start3A_270] : memref<512xi32, #tpu.memory_space<vmem>> -> memref<32xi32, #tpu.memory_space<vmem>>
    %dma_start3A_272 = arith.constant 0 : i32
    %dma_start3A_273 = arith.constant 0 : i32
    %dma_start3A_274 = tpu.memref_slice %arg3[%dma_start3A_272, %dma_start3A_273] : memref<100000x1024xf32, #tpu.memory_space<hbm>> -> memref<100000x1024xf32, #tpu.memory_space<hbm>>
    tpu.enqueue_indirect_dma source(%dma_start3A_274 : memref<100000x1024xf32, #tpu.memory_space<hbm>>) target(%arg8 : memref<32x1024xf32, #tpu.memory_space<vmem>>) offsets(%dma_start3A_271 : memref<32xi32, #tpu.memory_space<vmem>>) semaphore(%arg9 : memref<!tpu.dma_semaphore, #tpu.memory_space<semaphore_mem>>)
    %dma_wait3A_275 = arith.constant 320 : i32
    %dma_wait3A_276 = tpu.memref_slice %arg5[%dma_wait3A_275] : memref<512xi32, #tpu.memory_space<vmem>> -> memref<32xi32, #tpu.memory_space<vmem>>
    %dma_wait3A_277 = arith.constant 0 : i32
    %dma_wait3A_278 = arith.constant 0 : i32
    %dma_wait3A_279 = tpu.memref_slice %arg3[%dma_wait3A_277, %dma_wait3A_278] : memref<100000x1024xf32, #tpu.memory_space<hbm>> -> memref<100000x1024xf32, #tpu.memory_space<hbm>>
    tpu.wait_indirect_dma semaphore(%arg9 : memref<!tpu.dma_semaphore, #tpu.memory_space<semaphore_mem>>) src(%dma_wait3A_279 : memref<100000x1024xf32, #tpu.memory_space<hbm>>) dst(%arg7 : memref<32x1024xf32, #tpu.memory_space<vmem>>)
    %add3A_280 = arith.constant 320 : i32
    %add3A_281 = arith.addi %mul3A_32, %add3A_280 : i32
    %dma_start3A_282 = arith.constant 0 : i32
    %dma_start3A_283 = tpu.memref_slice %arg4[%select_n3A, %add3A_281, %dma_start3A_282] : memref<4x4096x1024xf32, #tpu.memory_space<hbm>> -> memref<1x32x1024xf32, #tpu.memory_space<hbm>>
    %dma_start3A_284 = tpu.memref_squeeze %dma_start3A_283 : memref<1x32x1024xf32, #tpu.memory_space<hbm>> -> memref<32x1024xf32, #tpu.memory_space<hbm>>
    %dma_start3A_285 = arith.constant 0 : i32
    %dma_start3A_286 = tpu.memref_slice %arg4[%select_n3A, %add3A_281, %dma_start3A_285] : memref<4x4096x1024xf32, #tpu.memory_space<hbm>> -> memref<1x32x1024xf32, #tpu.memory_space<hbm>>
    %dma_start3A_287 = tpu.memref_squeeze %dma_start3A_286 : memref<1x32x1024xf32, #tpu.memory_space<hbm>> -> memref<32x1024xf32, #tpu.memory_space<hbm>>
    tpu.enqueue_dma source(%arg7 : memref<32x1024xf32, #tpu.memory_space<vmem>>) target(%dma_start3A_287 : memref<32x1024xf32, #tpu.memory_space<hbm>>) target_semaphore(%arg10 : memref<!tpu.dma_semaphore, #tpu.memory_space<semaphore_mem>>)
    %dma_wait3A_288 = arith.constant 0 : i32
    %dma_wait3A_289 = tpu.memref_slice %arg4[%select_n3A, %add3A_257, %dma_wait3A_288] : memref<4x4096x1024xf32, #tpu.memory_space<hbm>> -> memref<1x32x1024xf32, #tpu.memory_space<hbm>>
    %dma_wait3A_290 = tpu.memref_squeeze %dma_wait3A_289 : memref<1x32x1024xf32, #tpu.memory_space<hbm>> -> memref<32x1024xf32, #tpu.memory_space<hbm>>
    %dma_wait3A_291 = arith.constant 0 : i32
    %dma_wait3A_292 = tpu.memref_slice %arg4[%select_n3A, %add3A_257, %dma_wait3A_291] : memref<4x4096x1024xf32, #tpu.memory_space<hbm>> -> memref<1x32x1024xf32, #tpu.memory_space<hbm>>
    %dma_wait3A_293 = tpu.memref_squeeze %dma_wait3A_292 : memref<1x32x1024xf32, #tpu.memory_space<hbm>> -> memref<32x1024xf32, #tpu.memory_space<hbm>>
    tpu.wait_dma2 semaphore(%arg10 : memref<!tpu.dma_semaphore, #tpu.memory_space<semaphore_mem>>) src(%arg6 : memref<32x1024xf32, #tpu.memory_space<vmem>>) dst(%dma_wait3A_293 : memref<32x1024xf32, #tpu.memory_space<hbm>>)
    %dma_start3A_294 = arith.constant 384 : i32
    %dma_start3A_295 = tpu.memref_slice %arg5[%dma_start3A_294] : memref<512xi32, #tpu.memory_space<vmem>> -> memref<32xi32, #tpu.memory_space<vmem>>
    %dma_start3A_296 = arith.constant 0 : i32
    %dma_start3A_297 = arith.constant 0 : i32
    %dma_start3A_298 = tpu.memref_slice %arg3[%dma_start3A_296, %dma_start3A_297] : memref<100000x1024xf32, #tpu.memory_space<hbm>> -> memref<100000x1024xf32, #tpu.memory_space<hbm>>
    tpu.enqueue_indirect_dma source(%dma_start3A_298 : memref<100000x1024xf32, #tpu.memory_space<hbm>>) target(%arg6 : memref<32x1024xf32, #tpu.memory_space<vmem>>) offsets(%dma_start3A_295 : memref<32xi32, #tpu.memory_space<vmem>>) semaphore(%arg9 : memref<!tpu.dma_semaphore, #tpu.memory_space<semaphore_mem>>)
    %dma_wait3A_299 = arith.constant 352 : i32
    %dma_wait3A_300 = tpu.memref_slice %arg5[%dma_wait3A_299] : memref<512xi32, #tpu.memory_space<vmem>> -> memref<32xi32, #tpu.memory_space<vmem>>
    %dma_wait3A_301 = arith.constant 0 : i32
    %dma_wait3A_302 = arith.constant 0 : i32
    %dma_wait3A_303 = tpu.memref_slice %arg3[%dma_wait3A_301, %dma_wait3A_302] : memref<100000x1024xf32, #tpu.memory_space<hbm>> -> memref<100000x1024xf32, #tpu.memory_space<hbm>>
    tpu.wait_indirect_dma semaphore(%arg9 : memref<!tpu.dma_semaphore, #tpu.memory_space<semaphore_mem>>) src(%dma_wait3A_303 : memref<100000x1024xf32, #tpu.memory_space<hbm>>) dst(%arg8 : memref<32x1024xf32, #tpu.memory_space<vmem>>)
    %add3A_304 = arith.constant 352 : i32
    %add3A_305 = arith.addi %mul3A_32, %add3A_304 : i32
    %dma_start3A_306 = arith.constant 0 : i32
    %dma_start3A_307 = tpu.memref_slice %arg4[%select_n3A, %add3A_305, %dma_start3A_306] : memref<4x4096x1024xf32, #tpu.memory_space<hbm>> -> memref<1x32x1024xf32, #tpu.memory_space<hbm>>
    %dma_start3A_308 = tpu.memref_squeeze %dma_start3A_307 : memref<1x32x1024xf32, #tpu.memory_space<hbm>> -> memref<32x1024xf32, #tpu.memory_space<hbm>>
    %dma_start3A_309 = arith.constant 0 : i32
    %dma_start3A_310 = tpu.memref_slice %arg4[%select_n3A, %add3A_305, %dma_start3A_309] : memref<4x4096x1024xf32, #tpu.memory_space<hbm>> -> memref<1x32x1024xf32, #tpu.memory_space<hbm>>
    %dma_start3A_311 = tpu.memref_squeeze %dma_start3A_310 : memref<1x32x1024xf32, #tpu.memory_space<hbm>> -> memref<32x1024xf32, #tpu.memory_space<hbm>>
    tpu.enqueue_dma source(%arg8 : memref<32x1024xf32, #tpu.memory_space<vmem>>) target(%dma_start3A_311 : memref<32x1024xf32, #tpu.memory_space<hbm>>) target_semaphore(%arg10 : memref<!tpu.dma_semaphore, #tpu.memory_space<semaphore_mem>>)
    %dma_wait3A_312 = arith.constant 0 : i32
    %dma_wait3A_313 = tpu.memref_slice %arg4[%select_n3A, %add3A_281, %dma_wait3A_312] : memref<4x4096x1024xf32, #tpu.memory_space<hbm>> -> memref<1x32x1024xf32, #tpu.memory_space<hbm>>
    %dma_wait3A_314 = tpu.memref_squeeze %dma_wait3A_313 : memref<1x32x1024xf32, #tpu.memory_space<hbm>> -> memref<32x1024xf32, #tpu.memory_space<hbm>>
    %dma_wait3A_315 = arith.constant 0 : i32
    %dma_wait3A_316 = tpu.memref_slice %arg4[%select_n3A, %add3A_281, %dma_wait3A_315] : memref<4x4096x1024xf32, #tpu.memory_space<hbm>> -> memref<1x32x1024xf32, #tpu.memory_space<hbm>>
    %dma_wait3A_317 = tpu.memref_squeeze %dma_wait3A_316 : memref<1x32x1024xf32, #tpu.memory_space<hbm>> -> memref<32x1024xf32, #tpu.memory_space<hbm>>
    tpu.wait_dma2 semaphore(%arg10 : memref<!tpu.dma_semaphore, #tpu.memory_space<semaphore_mem>>) src(%arg7 : memref<32x1024xf32, #tpu.memory_space<vmem>>) dst(%dma_wait3A_317 : memref<32x1024xf32, #tpu.memory_space<hbm>>)
    %dma_start3A_318 = arith.constant 416 : i32
    %dma_start3A_319 = tpu.memref_slice %arg5[%dma_start3A_318] : memref<512xi32, #tpu.memory_space<vmem>> -> memref<32xi32, #tpu.memory_space<vmem>>
    %dma_start3A_320 = arith.constant 0 : i32
    %dma_start3A_321 = arith.constant 0 : i32
    %dma_start3A_322 = tpu.memref_slice %arg3[%dma_start3A_320, %dma_start3A_321] : memref<100000x1024xf32, #tpu.memory_space<hbm>> -> memref<100000x1024xf32, #tpu.memory_space<hbm>>
    tpu.enqueue_indirect_dma source(%dma_start3A_322 : memref<100000x1024xf32, #tpu.memory_space<hbm>>) target(%arg7 : memref<32x1024xf32, #tpu.memory_space<vmem>>) offsets(%dma_start3A_319 : memref<32xi32, #tpu.memory_space<vmem>>) semaphore(%arg9 : memref<!tpu.dma_semaphore, #tpu.memory_space<semaphore_mem>>)
    %dma_wait3A_323 = arith.constant 384 : i32
    %dma_wait3A_324 = tpu.memref_slice %arg5[%dma_wait3A_323] : memref<512xi32, #tpu.memory_space<vmem>> -> memref<32xi32, #tpu.memory_space<vmem>>
    %dma_wait3A_325 = arith.constant 0 : i32
    %dma_wait3A_326 = arith.constant 0 : i32
    %dma_wait3A_327 = tpu.memref_slice %arg3[%dma_wait3A_325, %dma_wait3A_326] : memref<100000x1024xf32, #tpu.memory_space<hbm>> -> memref<100000x1024xf32, #tpu.memory_space<hbm>>
    tpu.wait_indirect_dma semaphore(%arg9 : memref<!tpu.dma_semaphore, #tpu.memory_space<semaphore_mem>>) src(%dma_wait3A_327 : memref<100000x1024xf32, #tpu.memory_space<hbm>>) dst(%arg6 : memref<32x1024xf32, #tpu.memory_space<vmem>>)
    %add3A_328 = arith.constant 384 : i32
    %add3A_329 = arith.addi %mul3A_32, %add3A_328 : i32
    %dma_start3A_330 = arith.constant 0 : i32
    %dma_start3A_331 = tpu.memref_slice %arg4[%select_n3A, %add3A_329, %dma_start3A_330] : memref<4x4096x1024xf32, #tpu.memory_space<hbm>> -> memref<1x32x1024xf32, #tpu.memory_space<hbm>>
    %dma_start3A_332 = tpu.memref_squeeze %dma_start3A_331 : memref<1x32x1024xf32, #tpu.memory_space<hbm>> -> memref<32x1024xf32, #tpu.memory_space<hbm>>
    %dma_start3A_333 = arith.constant 0 : i32
    %dma_start3A_334 = tpu.memref_slice %arg4[%select_n3A, %add3A_329, %dma_start3A_333] : memref<4x4096x1024xf32, #tpu.memory_space<hbm>> -> memref<1x32x1024xf32, #tpu.memory_space<hbm>>
    %dma_start3A_335 = tpu.memref_squeeze %dma_start3A_334 : memref<1x32x1024xf32, #tpu.memory_space<hbm>> -> memref<32x1024xf32, #tpu.memory_space<hbm>>
    tpu.enqueue_dma source(%arg6 : memref<32x1024xf32, #tpu.memory_space<vmem>>) target(%dma_start3A_335 : memref<32x1024xf32, #tpu.memory_space<hbm>>) target_semaphore(%arg10 : memref<!tpu.dma_semaphore, #tpu.memory_space<semaphore_mem>>)
    %dma_wait3A_336 = arith.constant 0 : i32
    %dma_wait3A_337 = tpu.memref_slice %arg4[%select_n3A, %add3A_305, %dma_wait3A_336] : memref<4x4096x1024xf32, #tpu.memory_space<hbm>> -> memref<1x32x1024xf32, #tpu.memory_space<hbm>>
    %dma_wait3A_338 = tpu.memref_squeeze %dma_wait3A_337 : memref<1x32x1024xf32, #tpu.memory_space<hbm>> -> memref<32x1024xf32, #tpu.memory_space<hbm>>
    %dma_wait3A_339 = arith.constant 0 : i32
    %dma_wait3A_340 = tpu.memref_slice %arg4[%select_n3A, %add3A_305, %dma_wait3A_339] : memref<4x4096x1024xf32, #tpu.memory_space<hbm>> -> memref<1x32x1024xf32, #tpu.memory_space<hbm>>
    %dma_wait3A_341 = tpu.memref_squeeze %dma_wait3A_340 : memref<1x32x1024xf32, #tpu.memory_space<hbm>> -> memref<32x1024xf32, #tpu.memory_space<hbm>>
    tpu.wait_dma2 semaphore(%arg10 : memref<!tpu.dma_semaphore, #tpu.memory_space<semaphore_mem>>) src(%arg8 : memref<32x1024xf32, #tpu.memory_space<vmem>>) dst(%dma_wait3A_341 : memref<32x1024xf32, #tpu.memory_space<hbm>>)
    %dma_start3A_342 = arith.constant 448 : i32
    %dma_start3A_343 = tpu.memref_slice %arg5[%dma_start3A_342] : memref<512xi32, #tpu.memory_space<vmem>> -> memref<32xi32, #tpu.memory_space<vmem>>
    %dma_start3A_344 = arith.constant 0 : i32
    %dma_start3A_345 = arith.constant 0 : i32
    %dma_start3A_346 = tpu.memref_slice %arg3[%dma_start3A_344, %dma_start3A_345] : memref<100000x1024xf32, #tpu.memory_space<hbm>> -> memref<100000x1024xf32, #tpu.memory_space<hbm>>
    tpu.enqueue_indirect_dma source(%dma_start3A_346 : memref<100000x1024xf32, #tpu.memory_space<hbm>>) target(%arg8 : memref<32x1024xf32, #tpu.memory_space<vmem>>) offsets(%dma_start3A_343 : memref<32xi32, #tpu.memory_space<vmem>>) semaphore(%arg9 : memref<!tpu.dma_semaphore, #tpu.memory_space<semaphore_mem>>)
    %dma_wait3A_347 = arith.constant 416 : i32
    %dma_wait3A_348 = tpu.memref_slice %arg5[%dma_wait3A_347] : memref<512xi32, #tpu.memory_space<vmem>> -> memref<32xi32, #tpu.memory_space<vmem>>
    %dma_wait3A_349 = arith.constant 0 : i32
    %dma_wait3A_350 = arith.constant 0 : i32
    %dma_wait3A_351 = tpu.memref_slice %arg3[%dma_wait3A_349, %dma_wait3A_350] : memref<100000x1024xf32, #tpu.memory_space<hbm>> -> memref<100000x1024xf32, #tpu.memory_space<hbm>>
    tpu.wait_indirect_dma semaphore(%arg9 : memref<!tpu.dma_semaphore, #tpu.memory_space<semaphore_mem>>) src(%dma_wait3A_351 : memref<100000x1024xf32, #tpu.memory_space<hbm>>) dst(%arg7 : memref<32x1024xf32, #tpu.memory_space<vmem>>)
    %add3A_352 = arith.constant 416 : i32
    %add3A_353 = arith.addi %mul3A_32, %add3A_352 : i32
    %dma_start3A_354 = arith.constant 0 : i32
    %dma_start3A_355 = tpu.memref_slice %arg4[%select_n3A, %add3A_353, %dma_start3A_354] : memref<4x4096x1024xf32, #tpu.memory_space<hbm>> -> memref<1x32x1024xf32, #tpu.memory_space<hbm>>
    %dma_start3A_356 = tpu.memref_squeeze %dma_start3A_355 : memref<1x32x1024xf32, #tpu.memory_space<hbm>> -> memref<32x1024xf32, #tpu.memory_space<hbm>>
    %dma_start3A_357 = arith.constant 0 : i32
    %dma_start3A_358 = tpu.memref_slice %arg4[%select_n3A, %add3A_353, %dma_start3A_357] : memref<4x4096x1024xf32, #tpu.memory_space<hbm>> -> memref<1x32x1024xf32, #tpu.memory_space<hbm>>
    %dma_start3A_359 = tpu.memref_squeeze %dma_start3A_358 : memref<1x32x1024xf32, #tpu.memory_space<hbm>> -> memref<32x1024xf32, #tpu.memory_space<hbm>>
    tpu.enqueue_dma source(%arg7 : memref<32x1024xf32, #tpu.memory_space<vmem>>) target(%dma_start3A_359 : memref<32x1024xf32, #tpu.memory_space<hbm>>) target_semaphore(%arg10 : memref<!tpu.dma_semaphore, #tpu.memory_space<semaphore_mem>>)
    %dma_wait3A_360 = arith.constant 0 : i32
    %dma_wait3A_361 = tpu.memref_slice %arg4[%select_n3A, %add3A_329, %dma_wait3A_360] : memref<4x4096x1024xf32, #tpu.memory_space<hbm>> -> memref<1x32x1024xf32, #tpu.memory_space<hbm>>
    %dma_wait3A_362 = tpu.memref_squeeze %dma_wait3A_361 : memref<1x32x1024xf32, #tpu.memory_space<hbm>> -> memref<32x1024xf32, #tpu.memory_space<hbm>>
    %dma_wait3A_363 = arith.constant 0 : i32
    %dma_wait3A_364 = tpu.memref_slice %arg4[%select_n3A, %add3A_329, %dma_wait3A_363] : memref<4x4096x1024xf32, #tpu.memory_space<hbm>> -> memref<1x32x1024xf32, #tpu.memory_space<hbm>>
    %dma_wait3A_365 = tpu.memref_squeeze %dma_wait3A_364 : memref<1x32x1024xf32, #tpu.memory_space<hbm>> -> memref<32x1024xf32, #tpu.memory_space<hbm>>
    tpu.wait_dma2 semaphore(%arg10 : memref<!tpu.dma_semaphore, #tpu.memory_space<semaphore_mem>>) src(%arg6 : memref<32x1024xf32, #tpu.memory_space<vmem>>) dst(%dma_wait3A_365 : memref<32x1024xf32, #tpu.memory_space<hbm>>)
    %dma_start3A_366 = arith.constant 480 : i32
    %dma_start3A_367 = tpu.memref_slice %arg5[%dma_start3A_366] : memref<512xi32, #tpu.memory_space<vmem>> -> memref<32xi32, #tpu.memory_space<vmem>>
    %dma_start3A_368 = arith.constant 0 : i32
    %dma_start3A_369 = arith.constant 0 : i32
    %dma_start3A_370 = tpu.memref_slice %arg3[%dma_start3A_368, %dma_start3A_369] : memref<100000x1024xf32, #tpu.memory_space<hbm>> -> memref<100000x1024xf32, #tpu.memory_space<hbm>>
    tpu.enqueue_indirect_dma source(%dma_start3A_370 : memref<100000x1024xf32, #tpu.memory_space<hbm>>) target(%arg6 : memref<32x1024xf32, #tpu.memory_space<vmem>>) offsets(%dma_start3A_367 : memref<32xi32, #tpu.memory_space<vmem>>) semaphore(%arg9 : memref<!tpu.dma_semaphore, #tpu.memory_space<semaphore_mem>>)
    %dma_wait3A_371 = arith.constant 448 : i32
    %dma_wait3A_372 = tpu.memref_slice %arg5[%dma_wait3A_371] : memref<512xi32, #tpu.memory_space<vmem>> -> memref<32xi32, #tpu.memory_space<vmem>>
    %dma_wait3A_373 = arith.constant 0 : i32
    %dma_wait3A_374 = arith.constant 0 : i32
    %dma_wait3A_375 = tpu.memref_slice %arg3[%dma_wait3A_373, %dma_wait3A_374] : memref<100000x1024xf32, #tpu.memory_space<hbm>> -> memref<100000x1024xf32, #tpu.memory_space<hbm>>
    tpu.wait_indirect_dma semaphore(%arg9 : memref<!tpu.dma_semaphore, #tpu.memory_space<semaphore_mem>>) src(%dma_wait3A_375 : memref<100000x1024xf32, #tpu.memory_space<hbm>>) dst(%arg8 : memref<32x1024xf32, #tpu.memory_space<vmem>>)
    %add3A_376 = arith.constant 448 : i32
    %add3A_377 = arith.addi %mul3A_32, %add3A_376 : i32
    %dma_start3A_378 = arith.constant 0 : i32
    %dma_start3A_379 = tpu.memref_slice %arg4[%select_n3A, %add3A_377, %dma_start3A_378] : memref<4x4096x1024xf32, #tpu.memory_space<hbm>> -> memref<1x32x1024xf32, #tpu.memory_space<hbm>>
    %dma_start3A_380 = tpu.memref_squeeze %dma_start3A_379 : memref<1x32x1024xf32, #tpu.memory_space<hbm>> -> memref<32x1024xf32, #tpu.memory_space<hbm>>
    %dma_start3A_381 = arith.constant 0 : i32
    %dma_start3A_382 = tpu.memref_slice %arg4[%select_n3A, %add3A_377, %dma_start3A_381] : memref<4x4096x1024xf32, #tpu.memory_space<hbm>> -> memref<1x32x1024xf32, #tpu.memory_space<hbm>>
    %dma_start3A_383 = tpu.memref_squeeze %dma_start3A_382 : memref<1x32x1024xf32, #tpu.memory_space<hbm>> -> memref<32x1024xf32, #tpu.memory_space<hbm>>
    tpu.enqueue_dma source(%arg8 : memref<32x1024xf32, #tpu.memory_space<vmem>>) target(%dma_start3A_383 : memref<32x1024xf32, #tpu.memory_space<hbm>>) target_semaphore(%arg10 : memref<!tpu.dma_semaphore, #tpu.memory_space<semaphore_mem>>)
    %dma_wait3A_384 = arith.constant 480 : i32
    %dma_wait3A_385 = tpu.memref_slice %arg5[%dma_wait3A_384] : memref<512xi32, #tpu.memory_space<vmem>> -> memref<32xi32, #tpu.memory_space<vmem>>
    %dma_wait3A_386 = arith.constant 0 : i32
    %dma_wait3A_387 = arith.constant 0 : i32
    %dma_wait3A_388 = tpu.memref_slice %arg3[%dma_wait3A_386, %dma_wait3A_387] : memref<100000x1024xf32, #tpu.memory_space<hbm>> -> memref<100000x1024xf32, #tpu.memory_space<hbm>>
    tpu.wait_indirect_dma semaphore(%arg9 : memref<!tpu.dma_semaphore, #tpu.memory_space<semaphore_mem>>) src(%dma_wait3A_388 : memref<100000x1024xf32, #tpu.memory_space<hbm>>) dst(%arg6 : memref<32x1024xf32, #tpu.memory_space<vmem>>)
    %add3A_389 = arith.constant 480 : i32
    %add3A_390 = arith.addi %mul3A_32, %add3A_389 : i32
    %dma_start3A_391 = arith.constant 0 : i32
    %dma_start3A_392 = tpu.memref_slice %arg4[%select_n3A, %add3A_390, %dma_start3A_391] : memref<4x4096x1024xf32, #tpu.memory_space<hbm>> -> memref<1x32x1024xf32, #tpu.memory_space<hbm>>
    %dma_start3A_393 = tpu.memref_squeeze %dma_start3A_392 : memref<1x32x1024xf32, #tpu.memory_space<hbm>> -> memref<32x1024xf32, #tpu.memory_space<hbm>>
    %dma_start3A_394 = arith.constant 0 : i32
    %dma_start3A_395 = tpu.memref_slice %arg4[%select_n3A, %add3A_390, %dma_start3A_394] : memref<4x4096x1024xf32, #tpu.memory_space<hbm>> -> memref<1x32x1024xf32, #tpu.memory_space<hbm>>
    %dma_start3A_396 = tpu.memref_squeeze %dma_start3A_395 : memref<1x32x1024xf32, #tpu.memory_space<hbm>> -> memref<32x1024xf32, #tpu.memory_space<hbm>>
    tpu.enqueue_dma source(%arg6 : memref<32x1024xf32, #tpu.memory_space<vmem>>) target(%dma_start3A_396 : memref<32x1024xf32, #tpu.memory_space<hbm>>) target_semaphore(%arg10 : memref<!tpu.dma_semaphore, #tpu.memory_space<semaphore_mem>>)
    %dma_wait3A_397 = arith.constant 0 : i32
    %dma_wait3A_398 = tpu.memref_slice %arg4[%select_n3A, %add3A_353, %dma_wait3A_397] : memref<4x4096x1024xf32, #tpu.memory_space<hbm>> -> memref<1x32x1024xf32, #tpu.memory_space<hbm>>
    %dma_wait3A_399 = tpu.memref_squeeze %dma_wait3A_398 : memref<1x32x1024xf32, #tpu.memory_space<hbm>> -> memref<32x1024xf32, #tpu.memory_space<hbm>>
    %dma_wait3A_400 = arith.constant 0 : i32
    %dma_wait3A_401 = tpu.memref_slice %arg4[%select_n3A, %add3A_353, %dma_wait3A_400] : memref<4x4096x1024xf32, #tpu.memory_space<hbm>> -> memref<1x32x1024xf32, #tpu.memory_space<hbm>>
    %dma_wait3A_402 = tpu.memref_squeeze %dma_wait3A_401 : memref<1x32x1024xf32, #tpu.memory_space<hbm>> -> memref<32x1024xf32, #tpu.memory_space<hbm>>
    tpu.wait_dma2 semaphore(%arg10 : memref<!tpu.dma_semaphore, #tpu.memory_space<semaphore_mem>>) src(%arg7 : memref<32x1024xf32, #tpu.memory_space<vmem>>) dst(%dma_wait3A_402 : memref<32x1024xf32, #tpu.memory_space<hbm>>)
    %dma_wait3A_403 = arith.constant 0 : i32
    %dma_wait3A_404 = tpu.memref_slice %arg4[%select_n3A, %add3A_377, %dma_wait3A_403] : memref<4x4096x1024xf32, #tpu.memory_space<hbm>> -> memref<1x32x1024xf32, #tpu.memory_space<hbm>>
    %dma_wait3A_405 = tpu.memref_squeeze %dma_wait3A_404 : memref<1x32x1024xf32, #tpu.memory_space<hbm>> -> memref<32x1024xf32, #tpu.memory_space<hbm>>
    %dma_wait3A_406 = arith.constant 0 : i32
    %dma_wait3A_407 = tpu.memref_slice %arg4[%select_n3A, %add3A_377, %dma_wait3A_406] : memref<4x4096x1024xf32, #tpu.memory_space<hbm>> -> memref<1x32x1024xf32, #tpu.memory_space<hbm>>
    %dma_wait3A_408 = tpu.memref_squeeze %dma_wait3A_407 : memref<1x32x1024xf32, #tpu.memory_space<hbm>> -> memref<32x1024xf32, #tpu.memory_space<hbm>>
    tpu.wait_dma2 semaphore(%arg10 : memref<!tpu.dma_semaphore, #tpu.memory_space<semaphore_mem>>) src(%arg8 : memref<32x1024xf32, #tpu.memory_space<vmem>>) dst(%dma_wait3A_408 : memref<32x1024xf32, #tpu.memory_space<hbm>>)
    %dma_wait3A_409 = arith.constant 0 : i32
    %dma_wait3A_410 = tpu.memref_slice %arg4[%select_n3A, %add3A_390, %dma_wait3A_409] : memref<4x4096x1024xf32, #tpu.memory_space<hbm>> -> memref<1x32x1024xf32, #tpu.memory_space<hbm>>
    %dma_wait3A_411 = tpu.memref_squeeze %dma_wait3A_410 : memref<1x32x1024xf32, #tpu.memory_space<hbm>> -> memref<32x1024xf32, #tpu.memory_space<hbm>>
    %dma_wait3A_412 = arith.constant 0 : i32
    %dma_wait3A_413 = tpu.memref_slice %arg4[%select_n3A, %add3A_390, %dma_wait3A_412] : memref<4x4096x1024xf32, #tpu.memory_space<hbm>> -> memref<1x32x1024xf32, #tpu.memory_space<hbm>>
    %dma_wait3A_414 = tpu.memref_squeeze %dma_wait3A_413 : memref<1x32x1024xf32, #tpu.memory_space<hbm>> -> memref<32x1024xf32, #tpu.memory_space<hbm>>
    tpu.wait_dma2 semaphore(%arg10 : memref<!tpu.dma_semaphore, #tpu.memory_space<semaphore_mem>>) src(%arg6 : memref<32x1024xf32, #tpu.memory_space<vmem>>) dst(%dma_wait3A_414 : memref<32x1024xf32, #tpu.memory_space<hbm>>)
    return
  }
}

</mosaic_0001>

<sc_bundles>
// kernel: _embed.3.cloned.1.call-start
scs
__scs_entry_jumppad:
0x0: {  	(pc) =	sbr.rel $0x88, $3  }
0x1: {  	(tag) =	ssettag $0x0;
	lr =	simm.s32 $0x1  }
0x2: {  	[smem:$0x3F9F] =	sst lr;
	_ =	strace $0xD0000000  }
0x3: {  	_ = 	snop  }
0x4: {  	_ = 	snop  }
0x5: {  	_ = 	snop  }
0x6: {  	_ = 	snop  }
0x7: {  	_ = 	snop  }
__scs_overlays_trampoline_lowered:
0x8: {  	[smem:$0x3FAE] =	sst s0  }
0x9: {  	[smem:$0x3FAF] =	sst s1  }
0xa: {  	[smem:$0x3FB0] =	sst s2  }
0xb: {  	[smem:$0x3FB1] =	sst s3  }
0xc: {  	[smem:$0x3FB2] =	sst s4  }
0xd: {  	[smem:$0x3FB3] =	sst s5  }
0xe: {  	[smem:$0x3FB4] =	sst s6  }
0xf: {  	[smem:$0x3FB5] =	sst s7  }
0x10: {  	[smem:$0x3FB6] =	sst s8  }
0x11: {  	[smem:$0x3FB7] =	sst s9;
	s0 =	simm.s32 @!p0 $0x0  }
0x12: {  	s1 =	sld [smem:$0x3F9D];
	s0 =	simm.s32 @p0 $0x1  }
0x13: {  	[smem:$0x3FB8] =	sst s0;
	s0 =	simm.s32 @!p1 $0x0  }
0x14: {  	s2 =	sld [smem:$0x3F9C];
	s0 =	simm.s32 @p1 $0x1  }
0x15: {  	[smem:$0x3FB9] =	sst s0;
	s0 =	simm.s32 @!p2 $0x0  }
0x16: {  	s3 =	sld [smem:$0x3FDB];
	s0 =	simm.s32 @p2 $0x1  }
0x17: {  	s4 =	simm.s32 $0x1BF5;
	[smem:$0x3FBB] =	sst s0  }
0x18: {  	s0 =	sld [smem:$0x3F9E];
	_ =	swait.ge [sflag:s4], $0x0  }
0x19: {  	s7 =	sld [smem:$0x3F9F]  }
0x1a: {  	s8 =	sadd.s32 $0xFFFFE003, lr  }
0x1b: {  	s9 =	sadd.s32 $0xFFFFFEF7, lr;
	s5 =	simm.s32 $0xFFFFFFFF;
	p2 =	slt.u32 s8, $0xFFFFF086  }
0x1c: {  	p1 =	slt.u32 s9, $0xF7A;
	s5 =	simm.s32 @!p2 $0x0  }
0x1d: {  	s5 =	simm.s32 @p1 $0x1;
	p0 =	seq.s32 s7, s2  }
0x1e: {  	s7 =	smul.u32 @!p0 $0xF7A, s2;
	p2 =	seq.s32 @!p0 s5, $0x0  }
0x1f: {  	s9 =	smul.u32 $0xF7A, s1;
	s8 =	simm.s32 @!p0 $0x1BF5;
	p2 =	por !p2, p0  }
0x20: {  	[sflag:s8] =	ssyncset.s32 @!p0 $0xFFFFF086;
	s6 =	sadd.s32 @!p0 s3, s7;
	s7 =	simm.s32 @!p0 $0x108  }
0x21: {  	s3 =	sadd.s32 s3, s9;
	s6 =	sadd.s32 @!p0 $0x88, s6;
	s7 =	simm.s32 @p2 $0x1082  }
0x22: {  	[simem:s7], [sflag:s8] =	dma.local @!p0 [hbm:s6], $0xF7A  }
0x23: {  	s9 =	sor.u32 $0xD0000000, s2;
	s6 =	simm.s32 $0x108;
	_ =	swait.ge @!p0 [sflag:s8], $0x0  }
0x24: {  	s3 =	sadd.s32 $0x88, s3;
	s6 =	simm.s32 @!p1 $0x1082;
	[sflag:s4] =	ssyncset.s32 $0xFFFFF086  }
0x25: {  	[simem:s6], [sflag:s4] =	dma.local [hbm:s3], $0xF7A  }
0x26: {  	[smem:$0x3F9F] =	sst s1;
	(tag) =	ssettag s2;
	_ =	strace s9  }
0x27: {  	s1 =	sld [smem:$0x3FAF]  }
0x28: {  	s2 =	sld [smem:$0x3FB0]  }
0x29: {  	s4 =	sld [smem:$0x3FB2]  }
0x2a: {  	p0 =	seq.s32 s5, $0x0;
	s5 =	sld [smem:$0x3FB3]  }
0x2b: {  	s6 =	sld [smem:$0x3FB4]  }
0x2c: {  	s7 =	sld [smem:$0x3FB5]  }
0x2d: {  	s3 =	simm.s32 $0x108;
	s8 =	sld [smem:$0x3FB6]  }
0x2e: {  	s3 =	simm.s32 @!p0 $0x1082;
	s9 =	sld [smem:$0x3FB7]  }
0x2f: {  	lr =	sadd.s32 s0, s3;
	s0 =	sld [smem:$0x3FAE]  }
0x30: {  	s3 =	sld [smem:$0x3FB1]  }
0x31: {  	[smem:$0x3FBA] =	sst s10  }
0x32: {  	s10 =	sld [smem:$0x3FB8];
	_ =	sdelay $0x3  }
0x33: {  	p0 =	seq.s32 s10, $0x1;
	s10 =	sld [smem:$0x3FBA];
	_ =	sdelay $0x3  }
0x34: {  	[smem:$0x3FBA] =	sst s10  }
0x35: {  	s10 =	sld [smem:$0x3FB9];
	_ =	sdelay $0x3  }
0x36: {  	p1 =	seq.s32 s10, $0x1;
	s10 =	sld [smem:$0x3FBA];
	_ =	sdelay $0x3  }
0x37: {  	[smem:$0x3FBA] =	sst s10  }
0x38: {  	s10 =	sld [smem:$0x3FBB]  }
0x39: {  	_ = 	snop;
	(pc) =	sbr.ind lr, $3  }
0x3a: {  	_ = 	snop  }
0x3b: {  	_ = 	snop  }
0x3c: {  	p2 =	seq.s32 s10, $0x1;
	s10 =	sld [smem:$0x3FBA]  }
0x3d: {  	_ =	shalt  }
0x3e: {  	_ =	shalt  }
0x3f: {  	_ =	shalt  }
0x40: {  	_ =	shalt  }
0x41: {  	_ =	shalt  }
0x42: {  	_ =	shalt  }
0x43: {  	_ =	shalt  }
0x44: {  	_ =	shalt  }
0x45: {  	_ =	shalt  }
0x46: {  	_ =	shalt  }
0x47: {  	_ =	shalt  }
0x48: {  	_ =	shalt  }
0x49: {  	_ =	shalt  }
0x4a: {  	_ =	shalt  }
0x4b: {  	_ =	shalt  }
0x4c: {  	_ =	shalt  }
0x4d: {  	_ =	shalt  }
0x4e: {  	_ =	shalt  }
0x4f: {  	_ =	shalt  }
0x50: {  	_ =	shalt  }
0x51: {  	_ =	shalt  }
0x52: {  	_ =	shalt  }
0x53: {  	_ =	shalt  }
0x54: {  	_ =	shalt  }
0x55: {  	_ =	shalt  }
0x56: {  	_ =	shalt  }
0x57: {  	_ =	shalt  }
0x58: {  	_ =	shalt  }
0x59: {  	_ =	shalt  }
0x5a: {  	_ =	shalt  }
0x5b: {  	_ =	shalt  }
0x5c: {  	_ =	shalt  }
0x5d: {  	_ =	shalt  }
0x5e: {  	_ =	shalt  }
0x5f: {  	_ =	shalt  }
0x60: {  	_ =	shalt  }
0x61: {  	_ =	shalt  }
0x62: {  	_ =	shalt  }
0x63: {  	_ =	shalt  }
0x64: {  	_ =	shalt  }
0x65: {  	_ =	shalt  }
0x66: {  	_ =	shalt  }
0x67: {  	_ =	shalt  }
0x68: {  	_ =	shalt  }
0x69: {  	_ =	shalt  }
0x6a: {  	_ =	shalt  }
0x6b: {  	_ =	shalt  }
0x6c: {  	_ =	shalt  }
0x6d: {  	_ =	shalt  }
0x6e: {  	_ =	shalt  }
0x6f: {  	_ =	shalt  }
0x70: {  	_ =	shalt  }
0x71: {  	_ =	shalt  }
0x72: {  	_ =	shalt  }
0x73: {  	_ =	shalt  }
0x74: {  	_ =	shalt  }
0x75: {  	_ =	shalt  }
0x76: {  	_ =	shalt  }
0x77: {  	_ =	shalt  }
0x78: {  	_ =	shalt  }
0x79: {  	_ =	shalt  }
0x7a: {  	_ =	shalt  }
0x7b: {  	_ =	shalt  }
0x7c: {  	_ =	shalt  }
0x7d: {  	_ =	shalt  }
0x7e: {  	_ =	shalt  }
0x7f: {  	_ =	shalt  }
0x80: {  	_ =	shalt  }
0x81: {  	_ =	shalt  }
0x82: {  	_ =	shalt  }
0x83: {  	_ =	shalt  }
0x84: {  	_ =	shalt  }
0x85: {  	_ =	shalt  }
0x86: {  	_ =	shalt  }
0x87: {  	_ =	shalt  }
.Lfunc_end0:
.L_simem_size_0:
called_computation_lowered:
.L_overlay_start_0:
0x88: {  	s2 =	sld [smem:$0x3FD9]  }
0x89: {  	s3 =	sld [smem:$0x3FFE];
	_ =	sdelay $0x1  }
0x8a: {  	s1 =	srdreg.scid  }
0x8b: {  	s0 =	sand.u32 $0x1, s1  }
0x8c: {  	s18 =	sshll.u32 s0, $0xA;
	s2 =	sadd.s32 s3, s2  }
0x8d: {  	s2 =	sadd.s32 s2, s18  }
0x8e: {  	[smem:$0x3FC6] =	sst s2  }
0x8f: {  	_ = 	snop  }
0x90: {  	s2 =	sld [smem:$0x3FC9]  }
0x91: {  	s19 =	sld [smem:$0x3FC8]  }
0x92: {  	s4 =	sld [smem:$0x3FD0];
	(tm) =	ssettm $0x1  }
0x93: {  	s5 =	sld [smem:$0x3FFB];
	_ =	sdelay $0x3  }
0x94: {  	_ =	strace s5  }
0x95: {  	s5 =	sld [smem:$0x3FFC];
	_ =	sdelay $0x3  }
0x96: {  	_ =	strace s5  }
0x97: {  	s5 =	sld [smem:$0x3FFD];
	_ =	sdelay $0x3  }
0x98: {  	_ =	strace s5  }
0x99: {  	_ =	strace $0x8FFFFFFF  }
0x9a: {  	s20 =	sld [smem:$0x3FDB];
	_ =	sdelay $0x1  }
0x9b: {  	s6 =	simm.s32 $_scs_section_size  }
0x9c: {  	s7 =	simm.s32 $_size__tile_overlayer_lowered;
	s8 =	simm.s32 $_tile_overlayer_lowered  }
0x9d: {  	s23 =	simm.s32 $0x1BFF;
	s22 =	sshll.u32 s8, $0x1;
	s5 =	sadd.s32 s6, s20  }
0x9e: {  	s9 =	simm.s32 $0x0;
	s21 =	sshll.u32 s7, $0x1;
	s7 =	sadd.s32 s22, s5  }
0x9f: {  	[timem:s9], [sflag:s23] =	dma.local [hbm:s7], s21  }
0xa0: {  	_ =	swait.ge [sflag:s23], s21  }
0xa1: {  	s6 =	ssub.s32 $0x0, s21;
	[sflag:s23] =	ssyncset.done $0x0  }
0xa2: {  	[sflag:s23] =	ssyncadd.s32 s6;
	_ =	sdelay $0x1  }
0xa3: {  	s24 =	simm.s32 $0x1B8B  }
0xa4: {  	_ =	swait.ge [sflag:s24], $0x1  }
0xa5: {  	[sflag:s24] =	ssyncset.done $0x0  }
0xa6: {  	s25 =	simm.s32 $0x1B8E;
	[sflag:s24] =	ssyncadd.s32 $0xFFFFFFFF  }
0xa7: {  	s26 =	simm.s32 $execute0_lowered;
	[smem:$0x3FD2] =	sst s25  }
0xa8: {  	s6 =	sshll.u32 s26, $0x1;
	_ =	strace $0x80000046;
	[dreg:$0x1] =	wrdreg $0xFFFFFFFF  }
0xa9: {  	s28 =	simm.s32 $_size_execute0_lowered;
	s5 =	sadd.s32 s5, s6;
	[dreg:$0x0] =	wrdreg $0x0  }
0xaa: {  	s6 =	sshll.u32 s28, $0x1;
	[dreg:$0x2] =	wrdreg s5  }
0xab: {  	[dreg:$0x3] =	wrdreg s6  }
0xac: {  	[dreg:$0x4] =	wrdreg $0xC0  }
0xad: {  	_ =	task [dreg:s9], $0x5FFFF  }
0xae: {  	[dreg:$0x1] =	wrdreg $0xFFFFFFFF  }
0xaf: {  	[dreg:$0x0] =	wrdreg $0x60  }
0xb0: {  	[dreg:$0x2] =	wrdreg s2  }
0xb1: {  	[dreg:$0x3] =	wrdreg s19  }
0xb2: {  	[dreg:$0x4] =	wrdreg s4  }
0xb3: {  	[dreg:$0x5] =	wrdreg $0x9  }
0xb4: {  	_ =	task.clear_ibuf [dreg:s9], $0x6FFFF;
	_ =	strace $0x90000046  }
0xb5: {  	s29 =	simm.s32 $0x9;
	_ =	strace $0x80000048  }
0xb6: {  	_ =	swait.ge [sflag:s29], $0x1  }
0xb7: {  	[sflag:s29] =	ssyncadd.s32 $0xFFFFFFFF  }
0xb8: {  	_ =	strace $0x90000048  }
0xb9: {  	_ =	sfence  }
0xba: {  	s30 =	sld [smem:$0x0];
	_ =	sdelay $0x2  }
0xbb: {  	s31 =	sshll.u32 s1, $0xD;
	s1 =	sshrl.u32 s1, $0x2  }
0xbc: {  	s3 =	sand.u32 $0x4000, s31;
	s1 =	sadd.s32 s1, s30  }
0xbd: {  	s0 =	sor.u32 s3, s0;
	s1 =	sshll.u32 s1, $0x11  }
0xbe: {  	s0 =	sor.u32 s1, s0  }
0xbf: {  	s0 =	sadd.s32 $0x8F2B, s0  }
0xc0: {  	[sflag:s0] =	ssyncadd.remote.s32 $0x1  }
0xc1: {  	_ =	sfence.sel $0xFFFF  }
0xc2: {  	[dreg:$0x0] =	wrdreg $0xFFFFFFFF;
	(pc) =	sbr.abs _section_cstart, $3  }
0xc3: {  	[dreg:$0x1] =	wrdreg $0xFFFFFFFF  }
0xc4: {  	_ =	task.clear_ibuf [dreg:s9], $0x2FFFF;
	_ =	strace $0x9FFFFFFF  }
0xc5: {  	(tm) =	ssettm $0x7FFFFFFF  }
tec
execute0_lowered:
.L_overlay_start_1:
0x0: {  	(tag) =	ssettag $0x1  }
0x1: {  	s0 =	rddreg [dreg:$0x0]  }
0x2: {  	s2 =	rddreg [dreg:$0x1]  }
0x3: {  	s1 =	rddreg [dreg:$0x2];
	s6 =	stileid.u32  }
0x4: {  	s4 =	srdreg.scid;
	s3 =	simm.s32 $0x0;
	s31 =	simm.s32 $0x80  }
0x5: {  	s5 =	sshll.u32 s6, $0x1;
	s4 =	sand.u32 $0x1, s4;
	s6 =	sshrl.u32 s6, $0x2  }
0x6: {  	[smem:$0x7FF] =	sst s3;
	s5 =	sand.u32 $0x6, s5;
	s8 =	sshll.u32 s6, $0x4  }
0x7: {  	s6 =	sshll.u32 s6, $0x13;
	_ =	strace $0x80000047;
	s5 =	sor.u32 s4, s5  }
0x8: {  	s0 =	sadd.s32 s0, s8;
	s7 =	sshll.u32 s5, $0x10;
	s5 =	sshll.u32 s5, $0x8  }
0x9: {  	[dreg:$0x14] =	wrdreg s31;
	s6 =	sor.u32 s6, s7;
	s0 =	sadd.s32 s5, s0  }
0xa: {  	s6 =	sadd.s32 s1, s6;
	[dreg:$0x4] =	wrdreg s0  }
0xb: {  	s13 =	sadd.s32 $0x1000, s6;
	[dreg:$0x15] =	wrdreg s6  }
0xc: {  	s14 =	sadd.s32 $0x2000, s6;
	[dreg:$0x5] =	wrdreg s13  }
0xd: {  	s15 =	sadd.s32 $0x3000, s6;
	[dreg:$0x6] =	wrdreg s14  }
0xe: {  	s16 =	sadd.s32 $0x4000, s6;
	[dreg:$0x7] =	wrdreg s15  }
0xf: {  	s17 =	sadd.s32 $0x5000, s6;
	[dreg:$0x8] =	wrdreg s16  }
0x10: {  	s9 =	simm.s32 $0x200;
	s18 =	sadd.s32 $0x6000, s6;
	[dreg:$0x9] =	wrdreg s17  }
0x11: {  	s10 =	simm.s32 $0x1;
	s19 =	sadd.s32 $0x7000, s6;
	[dreg:$0xa] =	wrdreg s18  }
0x12: {  	s28 =	simm.s32 $0x8200;
	s20 =	sadd.s32 $0x8000, s6;
	[dreg:$0xb] =	wrdreg s19  }
0x13: {  	s24 =	ssub.s32 $0x2, s4;
	s21 =	sadd.s32 $0x9000, s6;
	[dreg:$0xc] =	wrdreg s20  }
0x14: {  	s4 =	sshrl.u32 s24, $0x1;
	s22 =	sadd.s32 $0xA000, s6;
	[dreg:$0xd] =	wrdreg s21  }
0x15: {  	s5 =	sadd.s32 $0x100, s2;
	s23 =	sadd.s32 $0xB000, s6;
	[dreg:$0xe] =	wrdreg s22  }
0x16: {  	s7 =	sadd.s32 $0x300, s2;
	s25 =	sadd.s32 $0xC000, s6;
	[dreg:$0xf] =	wrdreg s23  }
0x17: {  	s1 =	ssub.s32 s24, s4;
	s26 =	sadd.s32 $0xD000, s6;
	[dreg:$0x10] =	wrdreg s25  }
0x18: {  	v2 =	vlaneseq.u32;
	s24 =	simm.s32 $0x10200;
	s29 =	sadd.s32 $0xE000, s6;
	[dreg:$0x11] =	wrdreg s26  }
0x19: {  	vm0 =	vmmov $0xffff;
	v1 =	vshrl.u32 v2, $0x3;
	s0 =	simm.s32 $0x2;
	s30 =	sadd.s32 $0xF000, s6;
	[dreg:$0x12] =	wrdreg s29  }
0x1a: {  	v0 =	vand.u32 $0x7, v2;
	v2 =	vor.u32 $0x8, v2;
	v1 =	vmul.u32 $0x8, v1;
	s6 =	sadd.s32 $0x200, s2;
	s8 =	smax.u32 s1, $0x1;
	[dreg:$0x13] =	wrdreg s30  }
.LBB2_1:
0x1b: {  	s1 =	rddreg [dreg:$0x4]  }
0x1c: {  	s4 =	rddreg [dreg:$0x14];
	s19 =	simm.s32 $0x3  }
0x1d: {  	[tilespmem:s3], [sflag:$0x3] =	stream.strided.gather [hbm4b:s1+s4], $0x200, s9, s4, $0x38;
	[tilespmem:$0x18200] =	vst v63  }
0x1e: {  	_ =	swait.ge [sflag:s19], $0x200  }
0x1f: {  	[sflag:s19] =	ssyncset.done $0x0  }
0x20: {  	[sflag:s19] =	ssyncadd.s32 $0xFFFFFE00  }
0x21: {  	v3 =	vld [tilespmem:$0x0];
	_ =	sdelay $0x4  }
0x22: {  	v4 =	vshll.u32 v3, $0x3  }
0x23: {  	v3 =	vand.u32 $0x7, v3;
	v4 =	vand.u32 $0xFFFFFFC0, v4  }
0x24: {  	v3 =	vor.u32 v3, v4  }
0x25: {  	v4 =	vperm.xlane v3, v0;
	_ =	sdelay $0x1  }
0x26: {  	v4 =	vadd.s32 v1, v4;
	_ =	sdelay $0x4  }
0x27: {  	[tilespmem:s9], [sflag:$0x1] =	stream.indirect_vreg.gather [hbm4b:s2+s3], $0x80, v4, vm0, $0xb8;
	[tilespmem:$0x18200] =	vst v63  }
0x28: {  	s20 =	simm.s32 $0xA00;
	v3 =	vperm.xlane v3, v2  }
0x29: {  	[tilespmem:s20], [sflag:$0x1] =	stream.indirect_vreg.gather [hbm4b:s5+s3], $0x80, v4, vm0, $0xb8;
	[tilespmem:$0x18200] =	vst v63  }
0x2a: {  	s21 =	simm.s32 $0x1200;
	v3 =	vadd.s32 v1, v3  }
0x2b: {  	[tilespmem:s21], [sflag:$0x1] =	stream.indirect_vreg.gather [hbm4b:s6+s3], $0x80, v4, vm0, $0xb8;
	[tilespmem:$0x18200] =	vst v63  }
0x2c: {  	s22 =	simm.s32 $0x1A00  }
0x2d: {  	[tilespmem:s22], [sflag:$0x1] =	stream.indirect_vreg.gather [hbm4b:s7+s3], $0x80, v4, vm0, $0xb8;
	[tilespmem:$0x18200] =	vst v63  }
0x2e: {  	s23 =	simm.s32 $0x2200  }
0x2f: {  	[tilespmem:s23], [sflag:$0x1] =	stream.indirect_vreg.gather [hbm4b:s2+s3], $0x80, v3, vm0, $0xb8;
	[tilespmem:$0x18200] =	vst v63  }
0x30: {  	s25 =	simm.s32 $0x2A00  }
0x31: {  	[tilespmem:s25], [sflag:$0x1] =	stream.indirect_vreg.gather [hbm4b:s5+s3], $0x80, v3, vm0, $0xb8;
	[tilespmem:$0x18200] =	vst v63  }
0x32: {  	s29 =	simm.s32 $0x3200  }
0x33: {  	[tilespmem:s29], [sflag:$0x1] =	stream.indirect_vreg.gather [hbm4b:s6+s3], $0x80, v3, vm0, $0xb8;
	[tilespmem:$0x18200] =	vst v63  }
0x34: {  	s30 =	simm.s32 $0x3A00  }
0x35: {  	[tilespmem:s30], [sflag:$0x1] =	stream.indirect_vreg.gather [hbm4b:s7+s3], $0x80, v3, vm0, $0xb8;
	[tilespmem:$0x18200] =	vst v63  }
0x36: {  	v3 =	vld [tilespmem:$0x10];
	_ =	sdelay $0x4  }
0x37: {  	v33 =	vshll.u32 v3, $0x3  }
0x38: {  	v3 =	vand.u32 $0x7, v3;
	v4 =	vand.u32 $0xFFFFFFC0, v33  }
0x39: {  	v3 =	vor.u32 v3, v4  }
0x3a: {  	v4 =	vperm.xlane v3, v0;
	_ =	sdelay $0x1  }
0x3b: {  	v4 =	vadd.s32 v1, v4;
	_ =	sdelay $0x3  }
0x3c: {  	s31 =	simm.s32 $0x4200  }
0x3d: {  	[tilespmem:s31], [sflag:$0x1] =	stream.indirect_vreg.gather [hbm4b:s2+s3], $0x80, v4, vm0, $0xb8;
	[tilespmem:$0x18200] =	vst v63  }
0x3e: {  	s15 =	simm.s32 $0x4A00;
	v3 =	vperm.xlane v3, v2  }
0x3f: {  	[tilespmem:s15], [sflag:$0x1] =	stream.indirect_vreg.gather [hbm4b:s5+s3], $0x80, v4, vm0, $0xb8;
	[tilespmem:$0x18200] =	vst v63  }
0x40: {  	s16 =	simm.s32 $0x5200;
	v3 =	vadd.s32 v1, v3  }
0x41: {  	[tilespmem:s16], [sflag:$0x1] =	stream.indirect_vreg.gather [hbm4b:s6+s3], $0x80, v4, vm0, $0xb8;
	[tilespmem:$0x18200] =	vst v63  }
0x42: {  	s17 =	simm.s32 $0x5A00  }
0x43: {  	[tilespmem:s17], [sflag:$0x1] =	stream.indirect_vreg.gather [hbm4b:s7+s3], $0x80, v4, vm0, $0xb8;
	[tilespmem:$0x18200] =	vst v63  }
0x44: {  	s18 =	simm.s32 $0x6200  }
0x45: {  	[tilespmem:s18], [sflag:$0x1] =	stream.indirect_vreg.gather [hbm4b:s2+s3], $0x80, v3, vm0, $0xb8;
	[tilespmem:$0x18200] =	vst v63  }
0x46: {  	s19 =	simm.s32 $0x6A00  }
0x47: {  	[tilespmem:s19], [sflag:$0x1] =	stream.indirect_vreg.gather [hbm4b:s5+s3], $0x80, v3, vm0, $0xb8;
	[tilespmem:$0x18200] =	vst v63  }
0x48: {  	s23 =	simm.s32 $0x7200  }
0x49: {  	[tilespmem:s23], [sflag:$0x1] =	stream.indirect_vreg.gather [hbm4b:s6+s3], $0x80, v3, vm0, $0xb8;
	[tilespmem:$0x18200] =	vst v63  }
0x4a: {  	s25 =	simm.s32 $0x7A00  }
0x4b: {  	[tilespmem:s25], [sflag:$0x1] =	stream.indirect_vreg.gather [hbm4b:s7+s3], $0x80, v3, vm0, $0xb8;
	[tilespmem:$0x18200] =	vst v63  }
0x4c: {  	v3 =	vld [tilespmem:$0x20];
	_ =	sdelay $0x4  }
0x4d: {  	v34 =	vshll.u32 v3, $0x3  }
0x4e: {  	v3 =	vand.u32 $0x7, v3;
	v4 =	vand.u32 $0xFFFFFFC0, v34  }
0x4f: {  	v3 =	vor.u32 v3, v4  }
0x50: {  	v4 =	vperm.xlane v3, v0;
	_ =	sdelay $0x1  }
0x51: {  	v4 =	vadd.s32 v1, v4;
	_ =	sdelay $0x4  }
0x52: {  	[tilespmem:s28], [sflag:$0x1] =	stream.indirect_vreg.gather [hbm4b:s2+s3], $0x80, v4, vm0, $0xb8;
	[tilespmem:$0x18200] =	vst v63  }
0x53: {  	s29 =	simm.s32 $0x8A00;
	v3 =	vperm.xlane v3, v2  }
0x54: {  	[tilespmem:s29], [sflag:$0x1] =	stream.indirect_vreg.gather [hbm4b:s5+s3], $0x80, v4, vm0, $0xb8;
	[tilespmem:$0x18200] =	vst v63  }
0x55: {  	s30 =	simm.s32 $0x9200;
	v3 =	vadd.s32 v1, v3  }
0x56: {  	[tilespmem:s30], [sflag:$0x1] =	stream.indirect_vreg.gather [hbm4b:s6+s3], $0x80, v4, vm0, $0xb8;
	[tilespmem:$0x18200] =	vst v63  }
0x57: {  	s31 =	simm.s32 $0x9A00  }
0x58: {  	[tilespmem:s31], [sflag:$0x1] =	stream.indirect_vreg.gather [hbm4b:s7+s3], $0x80, v4, vm0, $0xb8;
	[tilespmem:$0x18200] =	vst v63  }
0x59: {  	s29 =	simm.s32 $0xA200  }
0x5a: {  	[tilespmem:s29], [sflag:$0x1] =	stream.indirect_vreg.gather [hbm4b:s2+s3], $0x80, v3, vm0, $0xb8;
	[tilespmem:$0x18200] =	vst v63  }
0x5b: {  	s30 =	simm.s32 $0xAA00  }
0x5c: {  	[tilespmem:s30], [sflag:$0x1] =	stream.indirect_vreg.gather [hbm4b:s5+s3], $0x80, v3, vm0, $0xb8;
	[tilespmem:$0x18200] =	vst v63  }
0x5d: {  	s31 =	simm.s32 $0xB200  }
0x5e: {  	[tilespmem:s31], [sflag:$0x1] =	stream.indirect_vreg.gather [hbm4b:s6+s3], $0x80, v3, vm0, $0xb8;
	[tilespmem:$0x18200] =	vst v63  }
0x5f: {  	s29 =	simm.s32 $0xBA00  }
0x60: {  	[tilespmem:s29], [sflag:$0x1] =	stream.indirect_vreg.gather [hbm4b:s7+s3], $0x80, v3, vm0, $0xb8;
	[tilespmem:$0x18200] =	vst v63  }
0x61: {  	v3 =	vld [tilespmem:$0x30];
	_ =	sdelay $0x4  }
0x62: {  	v35 =	vshll.u32 v3, $0x3  }
0x63: {  	v3 =	vand.u32 $0x7, v3;
	v4 =	vand.u32 $0xFFFFFFC0, v35  }
0x64: {  	v3 =	vor.u32 v3, v4  }
0x65: {  	v4 =	vperm.xlane v3, v0;
	_ =	sdelay $0x1  }
0x66: {  	v4 =	vadd.s32 v1, v4;
	_ =	sdelay $0x3  }
0x67: {  	s30 =	simm.s32 $0xC200  }
0x68: {  	[tilespmem:s30], [sflag:$0x1] =	stream.indirect_vreg.gather [hbm4b:s2+s3], $0x80, v4, vm0, $0xb8;
	[tilespmem:$0x18200] =	vst v63  }
0x69: {  	s31 =	simm.s32 $0xCA00;
	v3 =	vperm.xlane v3, v2  }
0x6a: {  	[tilespmem:s31], [sflag:$0x1] =	stream.indirect_vreg.gather [hbm4b:s5+s3], $0x80, v4, vm0, $0xb8;
	[tilespmem:$0x18200] =	vst v63  }
0x6b: {  	s1 =	simm.s32 $0xD200;
	v3 =	vadd.s32 v1, v3  }
0x6c: {  	[tilespmem:s1], [sflag:$0x1] =	stream.indirect_vreg.gather [hbm4b:s6+s3], $0x80, v4, vm0, $0xb8;
	[tilespmem:$0x18200] =	vst v63  }
0x6d: {  	s1 =	simm.s32 $0xDA00  }
0x6e: {  	[tilespmem:s1], [sflag:$0x1] =	stream.indirect_vreg.gather [hbm4b:s7+s3], $0x80, v4, vm0, $0xb8;
	[tilespmem:$0x18200] =	vst v63  }
0x6f: {  	s1 =	simm.s32 $0xE200  }
0x70: {  	[tilespmem:s1], [sflag:$0x1] =	stream.indirect_vreg.gather [hbm4b:s2+s3], $0x80, v3, vm0, $0xb8;
	[tilespmem:$0x18200] =	vst v63  }
0x71: {  	s1 =	simm.s32 $0xEA00  }
0x72: {  	[tilespmem:s1], [sflag:$0x1] =	stream.indirect_vreg.gather [hbm4b:s5+s3], $0x80, v3, vm0, $0xb8;
	[tilespmem:$0x18200] =	vst v63  }
0x73: {  	s1 =	simm.s32 $0xF200  }
0x74: {  	[tilespmem:s1], [sflag:$0x1] =	stream.indirect_vreg.gather [hbm4b:s6+s3], $0x80, v3, vm0, $0xb8;
	[tilespmem:$0x18200] =	vst v63  }
0x75: {  	s1 =	simm.s32 $0xFA00  }
0x76: {  	[tilespmem:s1], [sflag:$0x1] =	stream.indirect_vreg.gather [hbm4b:s7+s3], $0x80, v3, vm0, $0xb8;
	[tilespmem:$0x18200] =	vst v63  }
0x77: {  	_ =	swait.ge [sflag:s10], $0x8000  }
0x78: {  	[sflag:s10] =	ssyncset.done $0x0  }
0x79: {  	s1 =	rddreg [dreg:$0x15];
	[sflag:s10] =	ssyncadd.s32 $0xFFFF8000  }
0x7a: {  	[hbm4b:s1+s3] =	stream.linear.scatter [tilespmem:s9], [sflag:$0x2], $0x8000, $0x38;
	[tilespmem:$0x18200] =	vst v63  }
0x7b: {  	v3 =	vld [tilespmem:$0x40];
	_ =	sdelay $0x4  }
0x7c: {  	v36 =	vshll.u32 v3, $0x3  }
0x7d: {  	v3 =	vand.u32 $0x7, v3;
	v4 =	vand.u32 $0xFFFFFFC0, v36  }
0x7e: {  	v3 =	vor.u32 v3, v4  }
0x7f: {  	v4 =	vperm.xlane v3, v0;
	_ =	sdelay $0x1  }
0x80: {  	v4 =	vadd.s32 v1, v4;
	_ =	sdelay $0x4  }
0x81: {  	[tilespmem:s24], [sflag:$0x1] =	stream.indirect_vreg.gather [hbm4b:s2+s3], $0x80, v4, vm0, $0xb8;
	[tilespmem:$0x18200] =	vst v63  }
0x82: {  	s1 =	simm.s32 $0x10A00;
	v3 =	vperm.xlane v3, v2  }
0x83: {  	[tilespmem:s1], [sflag:$0x1] =	stream.indirect_vreg.gather [hbm4b:s5+s3], $0x80, v4, vm0, $0xb8;
	[tilespmem:$0x18200] =	vst v63  }
0x84: {  	v3 =	vadd.s32 v1, v3;
	s1 =	simm.s32 $0x11200  }
0x85: {  	[tilespmem:s1], [sflag:$0x1] =	stream.indirect_vreg.gather [hbm4b:s6+s3], $0x80, v4, vm0, $0xb8;
	[tilespmem:$0x18200] =	vst v63  }
0x86: {  	s1 =	simm.s32 $0x11A00  }
0x87: {  	[tilespmem:s1], [sflag:$0x1] =	stream.indirect_vreg.gather [hbm4b:s7+s3], $0x80, v4, vm0, $0xb8;
	[tilespmem:$0x18200] =	vst v63  }
0x88: {  	s1 =	simm.s32 $0x12200  }
0x89: {  	[tilespmem:s1], [sflag:$0x1] =	stream.indirect_vreg.gather [hbm4b:s2+s3], $0x80, v3, vm0, $0xb8;
	[tilespmem:$0x18200] =	vst v63  }
0x8a: {  	s1 =	simm.s32 $0x12A00  }
0x8b: {  	[tilespmem:s1], [sflag:$0x1] =	stream.indirect_vreg.gather [hbm4b:s5+s3], $0x80, v3, vm0, $0xb8;
	[tilespmem:$0x18200] =	vst v63  }
0x8c: {  	s1 =	simm.s32 $0x13200  }
0x8d: {  	[tilespmem:s1], [sflag:$0x1] =	stream.indirect_vreg.gather [hbm4b:s6+s3], $0x80, v3, vm0, $0xb8;
	[tilespmem:$0x18200] =	vst v63  }
0x8e: {  	s1 =	simm.s32 $0x13A00  }
0x8f: {  	[tilespmem:s1], [sflag:$0x1] =	stream.indirect_vreg.gather [hbm4b:s7+s3], $0x80, v3, vm0, $0xb8;
	[tilespmem:$0x18200] =	vst v63  }
0x90: {  	v3 =	vld [tilespmem:$0x50];
	_ =	sdelay $0x4  }
0x91: {  	v37 =	vshll.u32 v3, $0x3  }
0x92: {  	v3 =	vand.u32 $0x7, v3;
	v4 =	vand.u32 $0xFFFFFFC0, v37  }
0x93: {  	v3 =	vor.u32 v3, v4  }
0x94: {  	v4 =	vperm.xlane v3, v0;
	_ =	sdelay $0x1  }
0x95: {  	v4 =	vadd.s32 v1, v4;
	_ =	sdelay $0x3  }
0x96: {  	s1 =	simm.s32 $0x14200  }
0x97: {  	[tilespmem:s1], [sflag:$0x1] =	stream.indirect_vreg.gather [hbm4b:s2+s3], $0x80, v4, vm0, $0xb8;
	[tilespmem:$0x18200] =	vst v63  }
0x98: {  	v3 =	vperm.xlane v3, v2;
	s1 =	simm.s32 $0x14A00  }
0x99: {  	[tilespmem:s1], [sflag:$0x1] =	stream.indirect_vreg.gather [hbm4b:s5+s3], $0x80, v4, vm0, $0xb8;
	[tilespmem:$0x18200] =	vst v63  }
0x9a: {  	v3 =	vadd.s32 v1, v3;
	s1 =	simm.s32 $0x15200  }
0x9b: {  	[tilespmem:s1], [sflag:$0x1] =	stream.indirect_vreg.gather [hbm4b:s6+s3], $0x80, v4, vm0, $0xb8;
	[tilespmem:$0x18200] =	vst v63  }
0x9c: {  	s1 =	simm.s32 $0x15A00  }
0x9d: {  	[tilespmem:s1], [sflag:$0x1] =	stream.indirect_vreg.gather [hbm4b:s7+s3], $0x80, v4, vm0, $0xb8;
	[tilespmem:$0x18200] =	vst v63  }
0x9e: {  	s1 =	simm.s32 $0x16200  }
0x9f: {  	[tilespmem:s1], [sflag:$0x1] =	stream.indirect_vreg.gather [hbm4b:s2+s3], $0x80, v3, vm0, $0xb8;
	[tilespmem:$0x18200] =	vst v63  }
0xa0: {  	s1 =	simm.s32 $0x16A00  }
0xa1: {  	[tilespmem:s1], [sflag:$0x1] =	stream.indirect_vreg.gather [hbm4b:s5+s3], $0x80, v3, vm0, $0xb8;
	[tilespmem:$0x18200] =	vst v63  }
0xa2: {  	s1 =	simm.s32 $0x17200  }
0xa3: {  	[tilespmem:s1], [sflag:$0x1] =	stream.indirect_vreg.gather [hbm4b:s6+s3], $0x80, v3, vm0, $0xb8;
	[tilespmem:$0x18200] =	vst v63  }
0xa4: {  	s1 =	simm.s32 $0x17A00  }
0xa5: {  	[tilespmem:s1], [sflag:$0x1] =	stream.indirect_vreg.gather [hbm4b:s7+s3], $0x80, v3, vm0, $0xb8;
	[tilespmem:$0x18200] =	vst v63  }
0xa6: {  	_ =	swait.ge [sflag:s10], $0x8000  }
0xa7: {  	[sflag:s10] =	ssyncset.done $0x0  }
0xa8: {  	s1 =	rddreg [dreg:$0x5];
	[sflag:s10] =	ssyncadd.s32 $0xFFFF8000  }
0xa9: {  	[hbm4b:s1+s3] =	stream.linear.scatter [tilespmem:s28], [sflag:$0x2], $0x8000, $0x38;
	[tilespmem:$0x18200] =	vst v63  }
0xaa: {  	_ =	swait.ge [sflag:s0], $0x8000  }
0xab: {  	[sflag:s0] =	ssyncset.done $0x0  }
0xac: {  	[sflag:s0] =	ssyncadd.s32 $0xFFFF8000  }
0xad: {  	v3 =	vld [tilespmem:$0x60];
	_ =	sdelay $0x4  }
0xae: {  	v38 =	vshll.u32 v3, $0x3  }
0xaf: {  	v3 =	vand.u32 $0x7, v3;
	v4 =	vand.u32 $0xFFFFFFC0, v38  }
0xb0: {  	v3 =	vor.u32 v3, v4  }
0xb1: {  	v4 =	vperm.xlane v3, v0;
	_ =	sdelay $0x1  }
0xb2: {  	v4 =	vadd.s32 v1, v4;
	_ =	sdelay $0x4  }
0xb3: {  	[tilespmem:s9], [sflag:$0x1] =	stream.indirect_vreg.gather [hbm4b:s2+s3], $0x80, v4, vm0, $0xb8;
	[tilespmem:$0x18200] =	vst v63  }
0xb4: {  	s26 =	simm.s32 $0xA00;
	v3 =	vperm.xlane v3, v2  }
0xb5: {  	[tilespmem:s26], [sflag:$0x1] =	stream.indirect_vreg.gather [hbm4b:s5+s3], $0x80, v4, vm0, $0xb8;
	[tilespmem:$0x18200] =	vst v63  }
0xb6: {  	s4 =	simm.s32 $0x1200;
	v3 =	vadd.s32 v1, v3  }
0xb7: {  	[tilespmem:s4], [sflag:$0x1] =	stream.indirect_vreg.gather [hbm4b:s6+s3], $0x80, v4, vm0, $0xb8;
	[tilespmem:$0x18200] =	vst v63  }
0xb8: {  	s11 =	simm.s32 $0x1A00  }
0xb9: {  	[tilespmem:s11], [sflag:$0x1] =	stream.indirect_vreg.gather [hbm4b:s7+s3], $0x80, v4, vm0, $0xb8;
	[tilespmem:$0x18200] =	vst v63  }
0xba: {  	s12 =	simm.s32 $0x2200  }
0xbb: {  	[tilespmem:s12], [sflag:$0x1] =	stream.indirect_vreg.gather [hbm4b:s2+s3], $0x80, v3, vm0, $0xb8;
	[tilespmem:$0x18200] =	vst v63  }
0xbc: {  	s13 =	simm.s32 $0x2A00  }
0xbd: {  	[tilespmem:s13], [sflag:$0x1] =	stream.indirect_vreg.gather [hbm4b:s5+s3], $0x80, v3, vm0, $0xb8;
	[tilespmem:$0x18200] =	vst v63  }
0xbe: {  	s14 =	simm.s32 $0x3200  }
0xbf: {  	[tilespmem:s14], [sflag:$0x1] =	stream.indirect_vreg.gather [hbm4b:s6+s3], $0x80, v3, vm0, $0xb8;
	[tilespmem:$0x18200] =	vst v63  }
0xc0: {  	s20 =	simm.s32 $0x3A00  }
0xc1: {  	[tilespmem:s20], [sflag:$0x1] =	stream.indirect_vreg.gather [hbm4b:s7+s3], $0x80, v3, vm0, $0xb8;
	[tilespmem:$0x18200] =	vst v63  }
0xc2: {  	v3 =	vld [tilespmem:$0x70];
	_ =	sdelay $0x4  }
0xc3: {  	v39 =	vshll.u32 v3, $0x3  }
0xc4: {  	v3 =	vand.u32 $0x7, v3;
	v4 =	vand.u32 $0xFFFFFFC0, v39  }
0xc5: {  	v3 =	vor.u32 v3, v4  }
0xc6: {  	v4 =	vperm.xlane v3, v0;
	_ =	sdelay $0x1  }
0xc7: {  	v4 =	vadd.s32 v1, v4;
	_ =	sdelay $0x3  }
0xc8: {  	s21 =	simm.s32 $0x4200  }
0xc9: {  	[tilespmem:s21], [sflag:$0x1] =	stream.indirect_vreg.gather [hbm4b:s2+s3], $0x80, v4, vm0, $0xb8;
	[tilespmem:$0x18200] =	vst v63  }
0xca: {  	s22 =	simm.s32 $0x4A00;
	v3 =	vperm.xlane v3, v2  }
0xcb: {  	[tilespmem:s22], [sflag:$0x1] =	stream.indirect_vreg.gather [hbm4b:s5+s3], $0x80, v4, vm0, $0xb8;
	[tilespmem:$0x18200] =	vst v63  }
0xcc: {  	s15 =	simm.s32 $0x5200;
	v3 =	vadd.s32 v1, v3  }
0xcd: {  	[tilespmem:s15], [sflag:$0x1] =	stream.indirect_vreg.gather [hbm4b:s6+s3], $0x80, v4, vm0, $0xb8;
	[tilespmem:$0x18200] =	vst v63  }
0xce: {  	s16 =	simm.s32 $0x5A00  }
0xcf: {  	[tilespmem:s16], [sflag:$0x1] =	stream.indirect_vreg.gather [hbm4b:s7+s3], $0x80, v4, vm0, $0xb8;
	[tilespmem:$0x18200] =	vst v63  }
0xd0: {  	s17 =	simm.s32 $0x6200  }
0xd1: {  	[tilespmem:s17], [sflag:$0x1] =	stream.indirect_vreg.gather [hbm4b:s2+s3], $0x80, v3, vm0, $0xb8;
	[tilespmem:$0x18200] =	vst v63  }
0xd2: {  	s18 =	simm.s32 $0x6A00  }
0xd3: {  	[tilespmem:s18], [sflag:$0x1] =	stream.indirect_vreg.gather [hbm4b:s5+s3], $0x80, v3, vm0, $0xb8;
	[tilespmem:$0x18200] =	vst v63  }
0xd4: {  	s19 =	simm.s32 $0x7200  }
0xd5: {  	[tilespmem:s19], [sflag:$0x1] =	stream.indirect_vreg.gather [hbm4b:s6+s3], $0x80, v3, vm0, $0xb8;
	[tilespmem:$0x18200] =	vst v63  }
0xd6: {  	s23 =	simm.s32 $0x7A00  }
0xd7: {  	[tilespmem:s23], [sflag:$0x1] =	stream.indirect_vreg.gather [hbm4b:s7+s3], $0x80, v3, vm0, $0xb8;
	[tilespmem:$0x18200] =	vst v63  }
0xd8: {  	_ =	swait.ge [sflag:s10], $0x8000  }
0xd9: {  	[sflag:s10] =	ssyncset.done $0x0  }
0xda: {  	s1 =	rddreg [dreg:$0x6];
	[sflag:s10] =	ssyncadd.s32 $0xFFFF8000  }
0xdb: {  	[hbm4b:s1+s3] =	stream.linear.scatter [tilespmem:s24], [sflag:$0x2], $0x8000, $0x38;
	[tilespmem:$0x18200] =	vst v63  }
0xdc: {  	_ =	swait.ge [sflag:s0], $0x8000  }
0xdd: {  	[sflag:s0] =	ssyncset.done $0x0  }
0xde: {  	[sflag:s0] =	ssyncadd.s32 $0xFFFF8000  }
0xdf: {  	v3 =	vld [tilespmem:$0x80];
	_ =	sdelay $0x4  }
0xe0: {  	v40 =	vshll.u32 v3, $0x3  }
0xe1: {  	v3 =	vand.u32 $0x7, v3;
	v4 =	vand.u32 $0xFFFFFFC0, v40  }
0xe2: {  	v3 =	vor.u32 v3, v4  }
0xe3: {  	v4 =	vperm.xlane v3, v0;
	_ =	sdelay $0x1  }
0xe4: {  	v4 =	vadd.s32 v1, v4;
	_ =	sdelay $0x4  }
0xe5: {  	[tilespmem:s28], [sflag:$0x1] =	stream.indirect_vreg.gather [hbm4b:s2+s3], $0x80, v4, vm0, $0xb8;
	[tilespmem:$0x18200] =	vst v63  }
0xe6: {  	s25 =	simm.s32 $0x8A00;
	v3 =	vperm.xlane v3, v2  }
0xe7: {  	[tilespmem:s25], [sflag:$0x1] =	stream.indirect_vreg.gather [hbm4b:s5+s3], $0x80, v4, vm0, $0xb8;
	[tilespmem:$0x18200] =	vst v63  }
0xe8: {  	v3 =	vadd.s32 v1, v3;
	s25 =	simm.s32 $0x9200  }
0xe9: {  	[tilespmem:s25], [sflag:$0x1] =	stream.indirect_vreg.gather [hbm4b:s6+s3], $0x80, v4, vm0, $0xb8;
	[tilespmem:$0x18200] =	vst v63  }
0xea: {  	s25 =	simm.s32 $0x9A00  }
0xeb: {  	[tilespmem:s25], [sflag:$0x1] =	stream.indirect_vreg.gather [hbm4b:s7+s3], $0x80, v4, vm0, $0xb8;
	[tilespmem:$0x18200] =	vst v63  }
0xec: {  	s25 =	simm.s32 $0xA200  }
0xed: {  	[tilespmem:s25], [sflag:$0x1] =	stream.indirect_vreg.gather [hbm4b:s2+s3], $0x80, v3, vm0, $0xb8;
	[tilespmem:$0x18200] =	vst v63  }
0xee: {  	s25 =	simm.s32 $0xAA00  }
0xef: {  	[tilespmem:s25], [sflag:$0x1] =	stream.indirect_vreg.gather [hbm4b:s5+s3], $0x80, v3, vm0, $0xb8;
	[tilespmem:$0x18200] =	vst v63  }
0xf0: {  	s25 =	simm.s32 $0xB200  }
0xf1: {  	[tilespmem:s25], [sflag:$0x1] =	stream.indirect_vreg.gather [hbm4b:s6+s3], $0x80, v3, vm0, $0xb8;
	[tilespmem:$0x18200] =	vst v63  }
0xf2: {  	s29 =	simm.s32 $0xBA00  }
0xf3: {  	[tilespmem:s29], [sflag:$0x1] =	stream.indirect_vreg.gather [hbm4b:s7+s3], $0x80, v3, vm0, $0xb8;
	[tilespmem:$0x18200] =	vst v63  }
0xf4: {  	v3 =	vld [tilespmem:$0x90];
	_ =	sdelay $0x4  }
0xf5: {  	v41 =	vshll.u32 v3, $0x3  }
0xf6: {  	v3 =	vand.u32 $0x7, v3;
	v4 =	vand.u32 $0xFFFFFFC0, v41  }
0xf7: {  	v3 =	vor.u32 v3, v4  }
0xf8: {  	v4 =	vperm.xlane v3, v0;
	_ =	sdelay $0x1  }
0xf9: {  	v4 =	vadd.s32 v1, v4;
	_ =	sdelay $0x3  }
0xfa: {  	s30 =	simm.s32 $0xC200  }
0xfb: {  	[tilespmem:s30], [sflag:$0x1] =	stream.indirect_vreg.gather [hbm4b:s2+s3], $0x80, v4, vm0, $0xb8;
	[tilespmem:$0x18200] =	vst v63  }
0xfc: {  	s31 =	simm.s32 $0xCA00;
	v3 =	vperm.xlane v3, v2  }
0xfd: {  	[tilespmem:s31], [sflag:$0x1] =	stream.indirect_vreg.gather [hbm4b:s5+s3], $0x80, v4, vm0, $0xb8;
	[tilespmem:$0x18200] =	vst v63  }
0xfe: {  	s25 =	simm.s32 $0xD200;
	v3 =	vadd.s32 v1, v3  }
0xff: {  	[tilespmem:s25], [sflag:$0x1] =	stream.indirect_vreg.gather [hbm4b:s6+s3], $0x80, v4, vm0, $0xb8;
	[tilespmem:$0x18200] =	vst v63  }
0x100: {  	s29 =	simm.s32 $0xDA00  }
0x101: {  	[tilespmem:s29], [sflag:$0x1] =	stream.indirect_vreg.gather [hbm4b:s7+s3], $0x80, v4, vm0, $0xb8;
	[tilespmem:$0x18200] =	vst v63  }
0x102: {  	s30 =	simm.s32 $0xE200  }
0x103: {  	[tilespmem:s30], [sflag:$0x1] =	stream.indirect_vreg.gather [hbm4b:s2+s3], $0x80, v3, vm0, $0xb8;
	[tilespmem:$0x18200] =	vst v63  }
0x104: {  	s31 =	simm.s32 $0xEA00  }
0x105: {  	[tilespmem:s31], [sflag:$0x1] =	stream.indirect_vreg.gather [hbm4b:s5+s3], $0x80, v3, vm0, $0xb8;
	[tilespmem:$0x18200] =	vst v63  }
0x106: {  	s25 =	simm.s32 $0xF200  }
0x107: {  	[tilespmem:s25], [sflag:$0x1] =	stream.indirect_vreg.gather [hbm4b:s6+s3], $0x80, v3, vm0, $0xb8;
	[tilespmem:$0x18200] =	vst v63  }
0x108: {  	s29 =	simm.s32 $0xFA00  }
0x109: {  	[tilespmem:s29], [sflag:$0x1] =	stream.indirect_vreg.gather [hbm4b:s7+s3], $0x80, v3, vm0, $0xb8;
	[tilespmem:$0x18200] =	vst v63  }
0x10a: {  	_ =	swait.ge [sflag:s10], $0x8000  }
0x10b: {  	[sflag:s10] =	ssyncset.done $0x0  }
0x10c: {  	s30 =	rddreg [dreg:$0x7];
	[sflag:s10] =	ssyncadd.s32 $0xFFFF8000  }
0x10d: {  	[hbm4b:s30+s3] =	stream.linear.scatter [tilespmem:s9], [sflag:$0x2], $0x8000, $0x38;
	[tilespmem:$0x18200] =	vst v63  }
0x10e: {  	_ =	swait.ge [sflag:s0], $0x8000  }
0x10f: {  	[sflag:s0] =	ssyncset.done $0x0  }
0x110: {  	[sflag:s0] =	ssyncadd.s32 $0xFFFF8000  }
0x111: {  	v3 =	vld [tilespmem:$0xA0];
	_ =	sdelay $0x4  }
0x112: {  	v42 =	vshll.u32 v3, $0x3  }
0x113: {  	v3 =	vand.u32 $0x7, v3;
	v4 =	vand.u32 $0xFFFFFFC0, v42  }
0x114: {  	v3 =	vor.u32 v3, v4  }
0x115: {  	v4 =	vperm.xlane v3, v0;
	_ =	sdelay $0x1  }
0x116: {  	v4 =	vadd.s32 v1, v4;
	_ =	sdelay $0x4  }
0x117: {  	[tilespmem:s24], [sflag:$0x1] =	stream.indirect_vreg.gather [hbm4b:s2+s3], $0x80, v4, vm0, $0xb8;
	[tilespmem:$0x18200] =	vst v63  }
0x118: {  	s31 =	simm.s32 $0x10A00;
	v3 =	vperm.xlane v3, v2  }
0x119: {  	[tilespmem:s31], [sflag:$0x1] =	stream.indirect_vreg.gather [hbm4b:s5+s3], $0x80, v4, vm0, $0xb8;
	[tilespmem:$0x18200] =	vst v63  }
0x11a: {  	s25 =	simm.s32 $0x11200;
	v3 =	vadd.s32 v1, v3  }
0x11b: {  	[tilespmem:s25], [sflag:$0x1] =	stream.indirect_vreg.gather [hbm4b:s6+s3], $0x80, v4, vm0, $0xb8;
	[tilespmem:$0x18200] =	vst v63  }
0x11c: {  	s29 =	simm.s32 $0x11A00  }
0x11d: {  	[tilespmem:s29], [sflag:$0x1] =	stream.indirect_vreg.gather [hbm4b:s7+s3], $0x80, v4, vm0, $0xb8;
	[tilespmem:$0x18200] =	vst v63  }
0x11e: {  	s30 =	simm.s32 $0x12200  }
0x11f: {  	[tilespmem:s30], [sflag:$0x1] =	stream.indirect_vreg.gather [hbm4b:s2+s3], $0x80, v3, vm0, $0xb8;
	[tilespmem:$0x18200] =	vst v63  }
0x120: {  	s31 =	simm.s32 $0x12A00  }
0x121: {  	[tilespmem:s31], [sflag:$0x1] =	stream.indirect_vreg.gather [hbm4b:s5+s3], $0x80, v3, vm0, $0xb8;
	[tilespmem:$0x18200] =	vst v63  }
0x122: {  	s1 =	simm.s32 $0x13200  }
0x123: {  	[tilespmem:s1], [sflag:$0x1] =	stream.indirect_vreg.gather [hbm4b:s6+s3], $0x80, v3, vm0, $0xb8;
	[tilespmem:$0x18200] =	vst v63  }
0x124: {  	s1 =	simm.s32 $0x13A00  }
0x125: {  	[tilespmem:s1], [sflag:$0x1] =	stream.indirect_vreg.gather [hbm4b:s7+s3], $0x80, v3, vm0, $0xb8;
	[tilespmem:$0x18200] =	vst v63  }
0x126: {  	v3 =	vld [tilespmem:$0xB0];
	_ =	sdelay $0x4  }
0x127: {  	v43 =	vshll.u32 v3, $0x3  }
0x128: {  	v3 =	vand.u32 $0x7, v3;
	v4 =	vand.u32 $0xFFFFFFC0, v43  }
0x129: {  	v3 =	vor.u32 v3, v4  }
0x12a: {  	v4 =	vperm.xlane v3, v0;
	_ =	sdelay $0x1  }
0x12b: {  	v4 =	vadd.s32 v1, v4;
	_ =	sdelay $0x3  }
0x12c: {  	s1 =	simm.s32 $0x14200  }
0x12d: {  	[tilespmem:s1], [sflag:$0x1] =	stream.indirect_vreg.gather [hbm4b:s2+s3], $0x80, v4, vm0, $0xb8;
	[tilespmem:$0x18200] =	vst v63  }
0x12e: {  	v3 =	vperm.xlane v3, v2;
	s1 =	simm.s32 $0x14A00  }
0x12f: {  	[tilespmem:s1], [sflag:$0x1] =	stream.indirect_vreg.gather [hbm4b:s5+s3], $0x80, v4, vm0, $0xb8;
	[tilespmem:$0x18200] =	vst v63  }
0x130: {  	v3 =	vadd.s32 v1, v3;
	s1 =	simm.s32 $0x15200  }
0x131: {  	[tilespmem:s1], [sflag:$0x1] =	stream.indirect_vreg.gather [hbm4b:s6+s3], $0x80, v4, vm0, $0xb8;
	[tilespmem:$0x18200] =	vst v63  }
0x132: {  	s1 =	simm.s32 $0x15A00  }
0x133: {  	[tilespmem:s1], [sflag:$0x1] =	stream.indirect_vreg.gather [hbm4b:s7+s3], $0x80, v4, vm0, $0xb8;
	[tilespmem:$0x18200] =	vst v63  }
0x134: {  	s1 =	simm.s32 $0x16200  }
0x135: {  	[tilespmem:s1], [sflag:$0x1] =	stream.indirect_vreg.gather [hbm4b:s2+s3], $0x80, v3, vm0, $0xb8;
	[tilespmem:$0x18200] =	vst v63  }
0x136: {  	s1 =	simm.s32 $0x16A00  }
0x137: {  	[tilespmem:s1], [sflag:$0x1] =	stream.indirect_vreg.gather [hbm4b:s5+s3], $0x80, v3, vm0, $0xb8;
	[tilespmem:$0x18200] =	vst v63  }
0x138: {  	s1 =	simm.s32 $0x17200  }
0x139: {  	[tilespmem:s1], [sflag:$0x1] =	stream.indirect_vreg.gather [hbm4b:s6+s3], $0x80, v3, vm0, $0xb8;
	[tilespmem:$0x18200] =	vst v63  }
0x13a: {  	s1 =	simm.s32 $0x17A00  }
0x13b: {  	[tilespmem:s1], [sflag:$0x1] =	stream.indirect_vreg.gather [hbm4b:s7+s3], $0x80, v3, vm0, $0xb8;
	[tilespmem:$0x18200] =	vst v63  }
0x13c: {  	_ =	swait.ge [sflag:s10], $0x8000  }
0x13d: {  	[sflag:s10] =	ssyncset.done $0x0  }
0x13e: {  	s1 =	rddreg [dreg:$0x8];
	[sflag:s10] =	ssyncadd.s32 $0xFFFF8000  }
0x13f: {  	[hbm4b:s1+s3] =	stream.linear.scatter [tilespmem:s28], [sflag:$0x2], $0x8000, $0x38;
	[tilespmem:$0x18200] =	vst v63  }
0x140: {  	_ =	swait.ge [sflag:s0], $0x8000  }
0x141: {  	[sflag:s0] =	ssyncset.done $0x0  }
0x142: {  	[sflag:s0] =	ssyncadd.s32 $0xFFFF8000  }
0x143: {  	v3 =	vld [tilespmem:$0xC0];
	_ =	sdelay $0x4  }
0x144: {  	v44 =	vshll.u32 v3, $0x3  }
0x145: {  	v3 =	vand.u32 $0x7, v3;
	v4 =	vand.u32 $0xFFFFFFC0, v44  }
0x146: {  	v3 =	vor.u32 v3, v4  }
0x147: {  	v4 =	vperm.xlane v3, v0;
	_ =	sdelay $0x1  }
0x148: {  	v4 =	vadd.s32 v1, v4;
	_ =	sdelay $0x4  }
0x149: {  	[tilespmem:s9], [sflag:$0x1] =	stream.indirect_vreg.gather [hbm4b:s2+s3], $0x80, v4, vm0, $0xb8;
	[tilespmem:$0x18200] =	vst v63  }
0x14a: {  	s26 =	simm.s32 $0xA00;
	v3 =	vperm.xlane v3, v2  }
0x14b: {  	[tilespmem:s26], [sflag:$0x1] =	stream.indirect_vreg.gather [hbm4b:s5+s3], $0x80, v4, vm0, $0xb8;
	[tilespmem:$0x18200] =	vst v63  }
0x14c: {  	s4 =	simm.s32 $0x1200;
	v3 =	vadd.s32 v1, v3  }
0x14d: {  	[tilespmem:s4], [sflag:$0x1] =	stream.indirect_vreg.gather [hbm4b:s6+s3], $0x80, v4, vm0, $0xb8;
	[tilespmem:$0x18200] =	vst v63  }
0x14e: {  	s11 =	simm.s32 $0x1A00  }
0x14f: {  	[tilespmem:s11], [sflag:$0x1] =	stream.indirect_vreg.gather [hbm4b:s7+s3], $0x80, v4, vm0, $0xb8;
	[tilespmem:$0x18200] =	vst v63  }
0x150: {  	s12 =	simm.s32 $0x2200  }
0x151: {  	[tilespmem:s12], [sflag:$0x1] =	stream.indirect_vreg.gather [hbm4b:s2+s3], $0x80, v3, vm0, $0xb8;
	[tilespmem:$0x18200] =	vst v63  }
0x152: {  	s13 =	simm.s32 $0x2A00  }
0x153: {  	[tilespmem:s13], [sflag:$0x1] =	stream.indirect_vreg.gather [hbm4b:s5+s3], $0x80, v3, vm0, $0xb8;
	[tilespmem:$0x18200] =	vst v63  }
0x154: {  	s14 =	simm.s32 $0x3200  }
0x155: {  	[tilespmem:s14], [sflag:$0x1] =	stream.indirect_vreg.gather [hbm4b:s6+s3], $0x80, v3, vm0, $0xb8;
	[tilespmem:$0x18200] =	vst v63  }
0x156: {  	s20 =	simm.s32 $0x3A00  }
0x157: {  	[tilespmem:s20], [sflag:$0x1] =	stream.indirect_vreg.gather [hbm4b:s7+s3], $0x80, v3, vm0, $0xb8;
	[tilespmem:$0x18200] =	vst v63  }
0x158: {  	v3 =	vld [tilespmem:$0xD0];
	_ =	sdelay $0x4  }
0x159: {  	v45 =	vshll.u32 v3, $0x3  }
0x15a: {  	v3 =	vand.u32 $0x7, v3;
	v4 =	vand.u32 $0xFFFFFFC0, v45  }
0x15b: {  	v3 =	vor.u32 v3, v4  }
0x15c: {  	v4 =	vperm.xlane v3, v0;
	_ =	sdelay $0x1  }
0x15d: {  	v4 =	vadd.s32 v1, v4;
	_ =	sdelay $0x3  }
0x15e: {  	s21 =	simm.s32 $0x4200  }
0x15f: {  	[tilespmem:s21], [sflag:$0x1] =	stream.indirect_vreg.gather [hbm4b:s2+s3], $0x80, v4, vm0, $0xb8;
	[tilespmem:$0x18200] =	vst v63  }
0x160: {  	s22 =	simm.s32 $0x4A00;
	v3 =	vperm.xlane v3, v2  }
0x161: {  	[tilespmem:s22], [sflag:$0x1] =	stream.indirect_vreg.gather [hbm4b:s5+s3], $0x80, v4, vm0, $0xb8;
	[tilespmem:$0x18200] =	vst v63  }
0x162: {  	s15 =	simm.s32 $0x5200;
	v3 =	vadd.s32 v1, v3  }
0x163: {  	[tilespmem:s15], [sflag:$0x1] =	stream.indirect_vreg.gather [hbm4b:s6+s3], $0x80, v4, vm0, $0xb8;
	[tilespmem:$0x18200] =	vst v63  }
0x164: {  	s16 =	simm.s32 $0x5A00  }
0x165: {  	[tilespmem:s16], [sflag:$0x1] =	stream.indirect_vreg.gather [hbm4b:s7+s3], $0x80, v4, vm0, $0xb8;
	[tilespmem:$0x18200] =	vst v63  }
0x166: {  	s17 =	simm.s32 $0x6200  }
0x167: {  	[tilespmem:s17], [sflag:$0x1] =	stream.indirect_vreg.gather [hbm4b:s2+s3], $0x80, v3, vm0, $0xb8;
	[tilespmem:$0x18200] =	vst v63  }
0x168: {  	s18 =	simm.s32 $0x6A00  }
0x169: {  	[tilespmem:s18], [sflag:$0x1] =	stream.indirect_vreg.gather [hbm4b:s5+s3], $0x80, v3, vm0, $0xb8;
	[tilespmem:$0x18200] =	vst v63  }
0x16a: {  	s19 =	simm.s32 $0x7200  }
0x16b: {  	[tilespmem:s19], [sflag:$0x1] =	stream.indirect_vreg.gather [hbm4b:s6+s3], $0x80, v3, vm0, $0xb8;
	[tilespmem:$0x18200] =	vst v63  }
0x16c: {  	s23 =	simm.s32 $0x7A00  }
0x16d: {  	[tilespmem:s23], [sflag:$0x1] =	stream.indirect_vreg.gather [hbm4b:s7+s3], $0x80, v3, vm0, $0xb8;
	[tilespmem:$0x18200] =	vst v63  }
0x16e: {  	_ =	swait.ge [sflag:s10], $0x8000  }
0x16f: {  	[sflag:s10] =	ssyncset.done $0x0  }
0x170: {  	s1 =	rddreg [dreg:$0x9];
	[sflag:s10] =	ssyncadd.s32 $0xFFFF8000  }
0x171: {  	[hbm4b:s1+s3] =	stream.linear.scatter [tilespmem:s24], [sflag:$0x2], $0x8000, $0x38;
	[tilespmem:$0x18200] =	vst v63  }
0x172: {  	_ =	swait.ge [sflag:s0], $0x8000  }
0x173: {  	[sflag:s0] =	ssyncset.done $0x0  }
0x174: {  	[sflag:s0] =	ssyncadd.s32 $0xFFFF8000  }
0x175: {  	v3 =	vld [tilespmem:$0xE0];
	_ =	sdelay $0x4  }
0x176: {  	v46 =	vshll.u32 v3, $0x3  }
0x177: {  	v3 =	vand.u32 $0x7, v3;
	v4 =	vand.u32 $0xFFFFFFC0, v46  }
0x178: {  	v3 =	vor.u32 v3, v4  }
0x179: {  	v4 =	vperm.xlane v3, v0;
	_ =	sdelay $0x1  }
0x17a: {  	v4 =	vadd.s32 v1, v4;
	_ =	sdelay $0x4  }
0x17b: {  	[tilespmem:s28], [sflag:$0x1] =	stream.indirect_vreg.gather [hbm4b:s2+s3], $0x80, v4, vm0, $0xb8;
	[tilespmem:$0x18200] =	vst v63  }
0x17c: {  	s1 =	simm.s32 $0x8A00;
	v3 =	vperm.xlane v3, v2  }
0x17d: {  	[tilespmem:s1], [sflag:$0x1] =	stream.indirect_vreg.gather [hbm4b:s5+s3], $0x80, v4, vm0, $0xb8;
	[tilespmem:$0x18200] =	vst v63  }
0x17e: {  	v3 =	vadd.s32 v1, v3;
	s1 =	simm.s32 $0x9200  }
0x17f: {  	[tilespmem:s1], [sflag:$0x1] =	stream.indirect_vreg.gather [hbm4b:s6+s3], $0x80, v4, vm0, $0xb8;
	[tilespmem:$0x18200] =	vst v63  }
0x180: {  	s1 =	simm.s32 $0x9A00  }
0x181: {  	[tilespmem:s1], [sflag:$0x1] =	stream.indirect_vreg.gather [hbm4b:s7+s3], $0x80, v4, vm0, $0xb8;
	[tilespmem:$0x18200] =	vst v63  }
0x182: {  	s1 =	simm.s32 $0xA200  }
0x183: {  	[tilespmem:s1], [sflag:$0x1] =	stream.indirect_vreg.gather [hbm4b:s2+s3], $0x80, v3, vm0, $0xb8;
	[tilespmem:$0x18200] =	vst v63  }
0x184: {  	s1 =	simm.s32 $0xAA00  }
0x185: {  	[tilespmem:s1], [sflag:$0x1] =	stream.indirect_vreg.gather [hbm4b:s5+s3], $0x80, v3, vm0, $0xb8;
	[tilespmem:$0x18200] =	vst v63  }
0x186: {  	s1 =	simm.s32 $0xB200  }
0x187: {  	[tilespmem:s1], [sflag:$0x1] =	stream.indirect_vreg.gather [hbm4b:s6+s3], $0x80, v3, vm0, $0xb8;
	[tilespmem:$0x18200] =	vst v63  }
0x188: {  	s1 =	simm.s32 $0xBA00  }
0x189: {  	[tilespmem:s1], [sflag:$0x1] =	stream.indirect_vreg.gather [hbm4b:s7+s3], $0x80, v3, vm0, $0xb8;
	[tilespmem:$0x18200] =	vst v63  }
0x18a: {  	v3 =	vld [tilespmem:$0xF0];
	_ =	sdelay $0x4  }
0x18b: {  	v47 =	vshll.u32 v3, $0x3  }
0x18c: {  	v3 =	vand.u32 $0x7, v3;
	v4 =	vand.u32 $0xFFFFFFC0, v47  }
0x18d: {  	v3 =	vor.u32 v3, v4  }
0x18e: {  	v4 =	vperm.xlane v3, v0;
	_ =	sdelay $0x1  }
0x18f: {  	v4 =	vadd.s32 v1, v4;
	_ =	sdelay $0x3  }
0x190: {  	s1 =	simm.s32 $0xC200  }
0x191: {  	[tilespmem:s1], [sflag:$0x1] =	stream.indirect_vreg.gather [hbm4b:s2+s3], $0x80, v4, vm0, $0xb8;
	[tilespmem:$0x18200] =	vst v63  }
0x192: {  	v3 =	vperm.xlane v3, v2;
	s1 =	simm.s32 $0xCA00  }
0x193: {  	[tilespmem:s1], [sflag:$0x1] =	stream.indirect_vreg.gather [hbm4b:s5+s3], $0x80, v4, vm0, $0xb8;
	[tilespmem:$0x18200] =	vst v63  }
0x194: {  	v3 =	vadd.s32 v1, v3;
	s1 =	simm.s32 $0xD200  }
0x195: {  	[tilespmem:s1], [sflag:$0x1] =	stream.indirect_vreg.gather [hbm4b:s6+s3], $0x80, v4, vm0, $0xb8;
	[tilespmem:$0x18200] =	vst v63  }
0x196: {  	s1 =	simm.s32 $0xDA00  }
0x197: {  	[tilespmem:s1], [sflag:$0x1] =	stream.indirect_vreg.gather [hbm4b:s7+s3], $0x80, v4, vm0, $0xb8;
	[tilespmem:$0x18200] =	vst v63  }
0x198: {  	s1 =	simm.s32 $0xE200  }
0x199: {  	[tilespmem:s1], [sflag:$0x1] =	stream.indirect_vreg.gather [hbm4b:s2+s3], $0x80, v3, vm0, $0xb8;
	[tilespmem:$0x18200] =	vst v63  }
0x19a: {  	s1 =	simm.s32 $0xEA00  }
0x19b: {  	[tilespmem:s1], [sflag:$0x1] =	stream.indirect_vreg.gather [hbm4b:s5+s3], $0x80, v3, vm0, $0xb8;
	[tilespmem:$0x18200] =	vst v63  }
0x19c: {  	s1 =	simm.s32 $0xF200  }
0x19d: {  	[tilespmem:s1], [sflag:$0x1] =	stream.indirect_vreg.gather [hbm4b:s6+s3], $0x80, v3, vm0, $0xb8;
	[tilespmem:$0x18200] =	vst v63  }
0x19e: {  	s1 =	simm.s32 $0xFA00  }
0x19f: {  	[tilespmem:s1], [sflag:$0x1] =	stream.indirect_vreg.gather [hbm4b:s7+s3], $0x80, v3, vm0, $0xb8;
	[tilespmem:$0x18200] =	vst v63  }
0x1a0: {  	_ =	swait.ge [sflag:s10], $0x8000  }
0x1a1: {  	[sflag:s10] =	ssyncset.done $0x0  }
0x1a2: {  	s1 =	rddreg [dreg:$0xa];
	[sflag:s10] =	ssyncadd.s32 $0xFFFF8000  }
0x1a3: {  	[hbm4b:s1+s3] =	stream.linear.scatter [tilespmem:s9], [sflag:$0x2], $0x8000, $0x38;
	[tilespmem:$0x18200] =	vst v63  }
0x1a4: {  	_ =	swait.ge [sflag:s0], $0x8000  }
0x1a5: {  	[sflag:s0] =	ssyncset.done $0x0  }
0x1a6: {  	[sflag:s0] =	ssyncadd.s32 $0xFFFF8000  }
0x1a7: {  	v3 =	vld [tilespmem:$0x100];
	_ =	sdelay $0x4  }
0x1a8: {  	v48 =	vshll.u32 v3, $0x3  }
0x1a9: {  	v3 =	vand.u32 $0x7, v3;
	v4 =	vand.u32 $0xFFFFFFC0, v48  }
0x1aa: {  	v3 =	vor.u32 v3, v4  }
0x1ab: {  	v4 =	vperm.xlane v3, v0;
	_ =	sdelay $0x1  }
0x1ac: {  	v4 =	vadd.s32 v1, v4;
	_ =	sdelay $0x4  }
0x1ad: {  	[tilespmem:s24], [sflag:$0x1] =	stream.indirect_vreg.gather [hbm4b:s2+s3], $0x80, v4, vm0, $0xb8;
	[tilespmem:$0x18200] =	vst v63  }
0x1ae: {  	s1 =	simm.s32 $0x10A00;
	v3 =	vperm.xlane v3, v2  }
0x1af: {  	[tilespmem:s1], [sflag:$0x1] =	stream.indirect_vreg.gather [hbm4b:s5+s3], $0x80, v4, vm0, $0xb8;
	[tilespmem:$0x18200] =	vst v63  }
0x1b0: {  	s25 =	simm.s32 $0x11200;
	v3 =	vadd.s32 v1, v3  }
0x1b1: {  	[tilespmem:s25], [sflag:$0x1] =	stream.indirect_vreg.gather [hbm4b:s6+s3], $0x80, v4, vm0, $0xb8;
	[tilespmem:$0x18200] =	vst v63  }
0x1b2: {  	s29 =	simm.s32 $0x11A00  }
0x1b3: {  	[tilespmem:s29], [sflag:$0x1] =	stream.indirect_vreg.gather [hbm4b:s7+s3], $0x80, v4, vm0, $0xb8;
	[tilespmem:$0x18200] =	vst v63  }
0x1b4: {  	s30 =	simm.s32 $0x12200  }
0x1b5: {  	[tilespmem:s30], [sflag:$0x1] =	stream.indirect_vreg.gather [hbm4b:s2+s3], $0x80, v3, vm0, $0xb8;
	[tilespmem:$0x18200] =	vst v63  }
0x1b6: {  	s31 =	simm.s32 $0x12A00  }
0x1b7: {  	[tilespmem:s31], [sflag:$0x1] =	stream.indirect_vreg.gather [hbm4b:s5+s3], $0x80, v3, vm0, $0xb8;
	[tilespmem:$0x18200] =	vst v63  }
0x1b8: {  	s1 =	simm.s32 $0x13200  }
0x1b9: {  	[tilespmem:s1], [sflag:$0x1] =	stream.indirect_vreg.gather [hbm4b:s6+s3], $0x80, v3, vm0, $0xb8;
	[tilespmem:$0x18200] =	vst v63  }
0x1ba: {  	s1 =	simm.s32 $0x13A00  }
0x1bb: {  	[tilespmem:s1], [sflag:$0x1] =	stream.indirect_vreg.gather [hbm4b:s7+s3], $0x80, v3, vm0, $0xb8;
	[tilespmem:$0x18200] =	vst v63  }
0x1bc: {  	v3 =	vld [tilespmem:$0x110];
	_ =	sdelay $0x4  }
0x1bd: {  	v49 =	vshll.u32 v3, $0x3  }
0x1be: {  	v3 =	vand.u32 $0x7, v3;
	v4 =	vand.u32 $0xFFFFFFC0, v49  }
0x1bf: {  	v3 =	vor.u32 v3, v4  }
0x1c0: {  	v4 =	vperm.xlane v3, v0;
	_ =	sdelay $0x1  }
0x1c1: {  	v4 =	vadd.s32 v1, v4;
	_ =	sdelay $0x3  }
0x1c2: {  	s1 =	simm.s32 $0x14200  }
0x1c3: {  	[tilespmem:s1], [sflag:$0x1] =	stream.indirect_vreg.gather [hbm4b:s2+s3], $0x80, v4, vm0, $0xb8;
	[tilespmem:$0x18200] =	vst v63  }
0x1c4: {  	v3 =	vperm.xlane v3, v2;
	s1 =	simm.s32 $0x14A00  }
0x1c5: {  	[tilespmem:s1], [sflag:$0x1] =	stream.indirect_vreg.gather [hbm4b:s5+s3], $0x80, v4, vm0, $0xb8;
	[tilespmem:$0x18200] =	vst v63  }
0x1c6: {  	v3 =	vadd.s32 v1, v3;
	s1 =	simm.s32 $0x15200  }
0x1c7: {  	[tilespmem:s1], [sflag:$0x1] =	stream.indirect_vreg.gather [hbm4b:s6+s3], $0x80, v4, vm0, $0xb8;
	[tilespmem:$0x18200] =	vst v63  }
0x1c8: {  	s1 =	simm.s32 $0x15A00  }
0x1c9: {  	[tilespmem:s1], [sflag:$0x1] =	stream.indirect_vreg.gather [hbm4b:s7+s3], $0x80, v4, vm0, $0xb8;
	[tilespmem:$0x18200] =	vst v63  }
0x1ca: {  	s1 =	simm.s32 $0x16200  }
0x1cb: {  	[tilespmem:s1], [sflag:$0x1] =	stream.indirect_vreg.gather [hbm4b:s2+s3], $0x80, v3, vm0, $0xb8;
	[tilespmem:$0x18200] =	vst v63  }
0x1cc: {  	s1 =	simm.s32 $0x16A00  }
0x1cd: {  	[tilespmem:s1], [sflag:$0x1] =	stream.indirect_vreg.gather [hbm4b:s5+s3], $0x80, v3, vm0, $0xb8;
	[tilespmem:$0x18200] =	vst v63  }
0x1ce: {  	s1 =	simm.s32 $0x17200  }
0x1cf: {  	[tilespmem:s1], [sflag:$0x1] =	stream.indirect_vreg.gather [hbm4b:s6+s3], $0x80, v3, vm0, $0xb8;
	[tilespmem:$0x18200] =	vst v63  }
0x1d0: {  	s1 =	simm.s32 $0x17A00  }
0x1d1: {  	[tilespmem:s1], [sflag:$0x1] =	stream.indirect_vreg.gather [hbm4b:s7+s3], $0x80, v3, vm0, $0xb8;
	[tilespmem:$0x18200] =	vst v63  }
0x1d2: {  	_ =	swait.ge [sflag:s10], $0x8000  }
0x1d3: {  	[sflag:s10] =	ssyncset.done $0x0  }
0x1d4: {  	s1 =	rddreg [dreg:$0xb];
	[sflag:s10] =	ssyncadd.s32 $0xFFFF8000  }
0x1d5: {  	[hbm4b:s1+s3] =	stream.linear.scatter [tilespmem:s28], [sflag:$0x2], $0x8000, $0x38;
	[tilespmem:$0x18200] =	vst v63  }
0x1d6: {  	_ =	swait.ge [sflag:s0], $0x8000  }
0x1d7: {  	[sflag:s0] =	ssyncset.done $0x0  }
0x1d8: {  	[sflag:s0] =	ssyncadd.s32 $0xFFFF8000  }
0x1d9: {  	v3 =	vld [tilespmem:$0x120];
	_ =	sdelay $0x4  }
0x1da: {  	v50 =	vshll.u32 v3, $0x3  }
0x1db: {  	v3 =	vand.u32 $0x7, v3;
	v4 =	vand.u32 $0xFFFFFFC0, v50  }
0x1dc: {  	v3 =	vor.u32 v3, v4  }
0x1dd: {  	v4 =	vperm.xlane v3, v0;
	_ =	sdelay $0x1  }
0x1de: {  	v4 =	vadd.s32 v1, v4;
	_ =	sdelay $0x4  }
0x1df: {  	[tilespmem:s9], [sflag:$0x1] =	stream.indirect_vreg.gather [hbm4b:s2+s3], $0x80, v4, vm0, $0xb8;
	[tilespmem:$0x18200] =	vst v63  }
0x1e0: {  	s26 =	simm.s32 $0xA00;
	v3 =	vperm.xlane v3, v2  }
0x1e1: {  	[tilespmem:s26], [sflag:$0x1] =	stream.indirect_vreg.gather [hbm4b:s5+s3], $0x80, v4, vm0, $0xb8;
	[tilespmem:$0x18200] =	vst v63  }
0x1e2: {  	s4 =	simm.s32 $0x1200;
	v3 =	vadd.s32 v1, v3  }
0x1e3: {  	[tilespmem:s4], [sflag:$0x1] =	stream.indirect_vreg.gather [hbm4b:s6+s3], $0x80, v4, vm0, $0xb8;
	[tilespmem:$0x18200] =	vst v63  }
0x1e4: {  	s11 =	simm.s32 $0x1A00  }
0x1e5: {  	[tilespmem:s11], [sflag:$0x1] =	stream.indirect_vreg.gather [hbm4b:s7+s3], $0x80, v4, vm0, $0xb8;
	[tilespmem:$0x18200] =	vst v63  }
0x1e6: {  	s12 =	simm.s32 $0x2200  }
0x1e7: {  	[tilespmem:s12], [sflag:$0x1] =	stream.indirect_vreg.gather [hbm4b:s2+s3], $0x80, v3, vm0, $0xb8;
	[tilespmem:$0x18200] =	vst v63  }
0x1e8: {  	s13 =	simm.s32 $0x2A00  }
0x1e9: {  	[tilespmem:s13], [sflag:$0x1] =	stream.indirect_vreg.gather [hbm4b:s5+s3], $0x80, v3, vm0, $0xb8;
	[tilespmem:$0x18200] =	vst v63  }
0x1ea: {  	s14 =	simm.s32 $0x3200  }
0x1eb: {  	[tilespmem:s14], [sflag:$0x1] =	stream.indirect_vreg.gather [hbm4b:s6+s3], $0x80, v3, vm0, $0xb8;
	[tilespmem:$0x18200] =	vst v63  }
0x1ec: {  	s20 =	simm.s32 $0x3A00  }
0x1ed: {  	[tilespmem:s20], [sflag:$0x1] =	stream.indirect_vreg.gather [hbm4b:s7+s3], $0x80, v3, vm0, $0xb8;
	[tilespmem:$0x18200] =	vst v63  }
0x1ee: {  	v3 =	vld [tilespmem:$0x130];
	_ =	sdelay $0x4  }
0x1ef: {  	v51 =	vshll.u32 v3, $0x3  }
0x1f0: {  	v3 =	vand.u32 $0x7, v3;
	v4 =	vand.u32 $0xFFFFFFC0, v51  }
0x1f1: {  	v3 =	vor.u32 v3, v4  }
0x1f2: {  	v4 =	vperm.xlane v3, v0;
	_ =	sdelay $0x1  }
0x1f3: {  	v4 =	vadd.s32 v1, v4;
	_ =	sdelay $0x3  }
0x1f4: {  	s21 =	simm.s32 $0x4200  }
0x1f5: {  	[tilespmem:s21], [sflag:$0x1] =	stream.indirect_vreg.gather [hbm4b:s2+s3], $0x80, v4, vm0, $0xb8;
	[tilespmem:$0x18200] =	vst v63  }
0x1f6: {  	s22 =	simm.s32 $0x4A00;
	v3 =	vperm.xlane v3, v2  }
0x1f7: {  	[tilespmem:s22], [sflag:$0x1] =	stream.indirect_vreg.gather [hbm4b:s5+s3], $0x80, v4, vm0, $0xb8;
	[tilespmem:$0x18200] =	vst v63  }
0x1f8: {  	s15 =	simm.s32 $0x5200;
	v3 =	vadd.s32 v1, v3  }
0x1f9: {  	[tilespmem:s15], [sflag:$0x1] =	stream.indirect_vreg.gather [hbm4b:s6+s3], $0x80, v4, vm0, $0xb8;
	[tilespmem:$0x18200] =	vst v63  }
0x1fa: {  	s16 =	simm.s32 $0x5A00  }
0x1fb: {  	[tilespmem:s16], [sflag:$0x1] =	stream.indirect_vreg.gather [hbm4b:s7+s3], $0x80, v4, vm0, $0xb8;
	[tilespmem:$0x18200] =	vst v63  }
0x1fc: {  	s17 =	simm.s32 $0x6200  }
0x1fd: {  	[tilespmem:s17], [sflag:$0x1] =	stream.indirect_vreg.gather [hbm4b:s2+s3], $0x80, v3, vm0, $0xb8;
	[tilespmem:$0x18200] =	vst v63  }
0x1fe: {  	s18 =	simm.s32 $0x6A00  }
0x1ff: {  	[tilespmem:s18], [sflag:$0x1] =	stream.indirect_vreg.gather [hbm4b:s5+s3], $0x80, v3, vm0, $0xb8;
	[tilespmem:$0x18200] =	vst v63  }
0x200: {  	s19 =	simm.s32 $0x7200  }
0x201: {  	[tilespmem:s19], [sflag:$0x1] =	stream.indirect_vreg.gather [hbm4b:s6+s3], $0x80, v3, vm0, $0xb8;
	[tilespmem:$0x18200] =	vst v63  }
0x202: {  	s23 =	simm.s32 $0x7A00  }
0x203: {  	[tilespmem:s23], [sflag:$0x1] =	stream.indirect_vreg.gather [hbm4b:s7+s3], $0x80, v3, vm0, $0xb8;
	[tilespmem:$0x18200] =	vst v63  }
0x204: {  	_ =	swait.ge [sflag:s10], $0x8000  }
0x205: {  	[sflag:s10] =	ssyncset.done $0x0  }
0x206: {  	s16 =	rddreg [dreg:$0xc];
	[sflag:s10] =	ssyncadd.s32 $0xFFFF8000  }
0x207: {  	[hbm4b:s16+s3] =	stream.linear.scatter [tilespmem:s24], [sflag:$0x2], $0x8000, $0x38;
	[tilespmem:$0x18200] =	vst v63  }
0x208: {  	_ =	swait.ge [sflag:s0], $0x8000  }
0x209: {  	[sflag:s0] =	ssyncset.done $0x0  }
0x20a: {  	[sflag:s0] =	ssyncadd.s32 $0xFFFF8000  }
0x20b: {  	v3 =	vld [tilespmem:$0x140];
	_ =	sdelay $0x4  }
0x20c: {  	v52 =	vshll.u32 v3, $0x3  }
0x20d: {  	v3 =	vand.u32 $0x7, v3;
	v4 =	vand.u32 $0xFFFFFFC0, v52  }
0x20e: {  	v3 =	vor.u32 v3, v4  }
0x20f: {  	v4 =	vperm.xlane v3, v0;
	_ =	sdelay $0x1  }
0x210: {  	v4 =	vadd.s32 v1, v4;
	_ =	sdelay $0x4  }
0x211: {  	[tilespmem:s28], [sflag:$0x1] =	stream.indirect_vreg.gather [hbm4b:s2+s3], $0x80, v4, vm0, $0xb8;
	[tilespmem:$0x18200] =	vst v63  }
0x212: {  	s17 =	simm.s32 $0x8A00;
	v3 =	vperm.xlane v3, v2  }
0x213: {  	[tilespmem:s17], [sflag:$0x1] =	stream.indirect_vreg.gather [hbm4b:s5+s3], $0x80, v4, vm0, $0xb8;
	[tilespmem:$0x18200] =	vst v63  }
0x214: {  	s18 =	simm.s32 $0x9200;
	v3 =	vadd.s32 v1, v3  }
0x215: {  	[tilespmem:s18], [sflag:$0x1] =	stream.indirect_vreg.gather [hbm4b:s6+s3], $0x80, v4, vm0, $0xb8;
	[tilespmem:$0x18200] =	vst v63  }
0x216: {  	s19 =	simm.s32 $0x9A00  }
0x217: {  	[tilespmem:s19], [sflag:$0x1] =	stream.indirect_vreg.gather [hbm4b:s7+s3], $0x80, v4, vm0, $0xb8;
	[tilespmem:$0x18200] =	vst v63  }
0x218: {  	s22 =	simm.s32 $0xA200  }
0x219: {  	[tilespmem:s22], [sflag:$0x1] =	stream.indirect_vreg.gather [hbm4b:s2+s3], $0x80, v3, vm0, $0xb8;
	[tilespmem:$0x18200] =	vst v63  }
0x21a: {  	s23 =	simm.s32 $0xAA00  }
0x21b: {  	[tilespmem:s23], [sflag:$0x1] =	stream.indirect_vreg.gather [hbm4b:s5+s3], $0x80, v3, vm0, $0xb8;
	[tilespmem:$0x18200] =	vst v63  }
0x21c: {  	s4 =	simm.s32 $0xB200  }
0x21d: {  	[tilespmem:s4], [sflag:$0x1] =	stream.indirect_vreg.gather [hbm4b:s6+s3], $0x80, v3, vm0, $0xb8;
	[tilespmem:$0x18200] =	vst v63  }
0x21e: {  	s11 =	simm.s32 $0xBA00  }
0x21f: {  	[tilespmem:s11], [sflag:$0x1] =	stream.indirect_vreg.gather [hbm4b:s7+s3], $0x80, v3, vm0, $0xb8;
	[tilespmem:$0x18200] =	vst v63  }
0x220: {  	v3 =	vld [tilespmem:$0x150];
	_ =	sdelay $0x4  }
0x221: {  	v53 =	vshll.u32 v3, $0x3  }
0x222: {  	v3 =	vand.u32 $0x7, v3;
	v4 =	vand.u32 $0xFFFFFFC0, v53  }
0x223: {  	v3 =	vor.u32 v3, v4  }
0x224: {  	v4 =	vperm.xlane v3, v0;
	_ =	sdelay $0x1  }
0x225: {  	v4 =	vadd.s32 v1, v4;
	_ =	sdelay $0x3  }
0x226: {  	s12 =	simm.s32 $0xC200  }
0x227: {  	[tilespmem:s12], [sflag:$0x1] =	stream.indirect_vreg.gather [hbm4b:s2+s3], $0x80, v4, vm0, $0xb8;
	[tilespmem:$0x18200] =	vst v63  }
0x228: {  	s13 =	simm.s32 $0xCA00;
	v3 =	vperm.xlane v3, v2  }
0x229: {  	[tilespmem:s13], [sflag:$0x1] =	stream.indirect_vreg.gather [hbm4b:s5+s3], $0x80, v4, vm0, $0xb8;
	[tilespmem:$0x18200] =	vst v63  }
0x22a: {  	s14 =	simm.s32 $0xD200;
	v3 =	vadd.s32 v1, v3  }
0x22b: {  	[tilespmem:s14], [sflag:$0x1] =	stream.indirect_vreg.gather [hbm4b:s6+s3], $0x80, v4, vm0, $0xb8;
	[tilespmem:$0x18200] =	vst v63  }
0x22c: {  	s15 =	simm.s32 $0xDA00  }
0x22d: {  	[tilespmem:s15], [sflag:$0x1] =	stream.indirect_vreg.gather [hbm4b:s7+s3], $0x80, v4, vm0, $0xb8;
	[tilespmem:$0x18200] =	vst v63  }
0x22e: {  	s16 =	simm.s32 $0xE200  }
0x22f: {  	[tilespmem:s16], [sflag:$0x1] =	stream.indirect_vreg.gather [hbm4b:s2+s3], $0x80, v3, vm0, $0xb8;
	[tilespmem:$0x18200] =	vst v63  }
0x230: {  	s17 =	simm.s32 $0xEA00  }
0x231: {  	[tilespmem:s17], [sflag:$0x1] =	stream.indirect_vreg.gather [hbm4b:s5+s3], $0x80, v3, vm0, $0xb8;
	[tilespmem:$0x18200] =	vst v63  }
0x232: {  	s18 =	simm.s32 $0xF200  }
0x233: {  	[tilespmem:s18], [sflag:$0x1] =	stream.indirect_vreg.gather [hbm4b:s6+s3], $0x80, v3, vm0, $0xb8;
	[tilespmem:$0x18200] =	vst v63  }
0x234: {  	s19 =	simm.s32 $0xFA00  }
0x235: {  	[tilespmem:s19], [sflag:$0x1] =	stream.indirect_vreg.gather [hbm4b:s7+s3], $0x80, v3, vm0, $0xb8;
	[tilespmem:$0x18200] =	vst v63  }
0x236: {  	_ =	swait.ge [sflag:s10], $0x8000  }
0x237: {  	[sflag:s10] =	ssyncset.done $0x0  }
0x238: {  	s22 =	rddreg [dreg:$0xd];
	[sflag:s10] =	ssyncadd.s32 $0xFFFF8000  }
0x239: {  	[hbm4b:s22+s3] =	stream.linear.scatter [tilespmem:s9], [sflag:$0x2], $0x8000, $0x38;
	[tilespmem:$0x18200] =	vst v63  }
0x23a: {  	_ =	swait.ge [sflag:s0], $0x8000  }
0x23b: {  	[sflag:s0] =	ssyncset.done $0x0  }
0x23c: {  	[sflag:s0] =	ssyncadd.s32 $0xFFFF8000  }
0x23d: {  	v3 =	vld [tilespmem:$0x160];
	_ =	sdelay $0x4  }
0x23e: {  	v54 =	vshll.u32 v3, $0x3  }
0x23f: {  	v3 =	vand.u32 $0x7, v3;
	v4 =	vand.u32 $0xFFFFFFC0, v54  }
0x240: {  	v3 =	vor.u32 v3, v4  }
0x241: {  	v4 =	vperm.xlane v3, v0;
	_ =	sdelay $0x1  }
0x242: {  	v4 =	vadd.s32 v1, v4;
	_ =	sdelay $0x4  }
0x243: {  	[tilespmem:s24], [sflag:$0x1] =	stream.indirect_vreg.gather [hbm4b:s2+s3], $0x80, v4, vm0, $0xb8;
	[tilespmem:$0x18200] =	vst v63  }
0x244: {  	s23 =	simm.s32 $0x10A00;
	v3 =	vperm.xlane v3, v2  }
0x245: {  	[tilespmem:s23], [sflag:$0x1] =	stream.indirect_vreg.gather [hbm4b:s5+s3], $0x80, v4, vm0, $0xb8;
	[tilespmem:$0x18200] =	vst v63  }
0x246: {  	s25 =	simm.s32 $0x11200;
	v3 =	vadd.s32 v1, v3  }
0x247: {  	[tilespmem:s25], [sflag:$0x1] =	stream.indirect_vreg.gather [hbm4b:s6+s3], $0x80, v4, vm0, $0xb8;
	[tilespmem:$0x18200] =	vst v63  }
0x248: {  	s29 =	simm.s32 $0x11A00  }
0x249: {  	[tilespmem:s29], [sflag:$0x1] =	stream.indirect_vreg.gather [hbm4b:s7+s3], $0x80, v4, vm0, $0xb8;
	[tilespmem:$0x18200] =	vst v63  }
0x24a: {  	s30 =	simm.s32 $0x12200  }
0x24b: {  	[tilespmem:s30], [sflag:$0x1] =	stream.indirect_vreg.gather [hbm4b:s2+s3], $0x80, v3, vm0, $0xb8;
	[tilespmem:$0x18200] =	vst v63  }
0x24c: {  	s31 =	simm.s32 $0x12A00  }
0x24d: {  	[tilespmem:s31], [sflag:$0x1] =	stream.indirect_vreg.gather [hbm4b:s5+s3], $0x80, v3, vm0, $0xb8;
	[tilespmem:$0x18200] =	vst v63  }
0x24e: {  	s31 =	simm.s32 $0x13200  }
0x24f: {  	[tilespmem:s31], [sflag:$0x1] =	stream.indirect_vreg.gather [hbm4b:s6+s3], $0x80, v3, vm0, $0xb8;
	[tilespmem:$0x18200] =	vst v63  }
0x250: {  	s4 =	simm.s32 $0x13A00  }
0x251: {  	[tilespmem:s4], [sflag:$0x1] =	stream.indirect_vreg.gather [hbm4b:s7+s3], $0x80, v3, vm0, $0xb8;
	[tilespmem:$0x18200] =	vst v63  }
0x252: {  	v3 =	vld [tilespmem:$0x170];
	_ =	sdelay $0x4  }
0x253: {  	v55 =	vshll.u32 v3, $0x3  }
0x254: {  	v3 =	vand.u32 $0x7, v3;
	v4 =	vand.u32 $0xFFFFFFC0, v55  }
0x255: {  	v3 =	vor.u32 v3, v4  }
0x256: {  	v4 =	vperm.xlane v3, v0;
	_ =	sdelay $0x1  }
0x257: {  	v4 =	vadd.s32 v1, v4;
	_ =	sdelay $0x3  }
0x258: {  	s11 =	simm.s32 $0x14200  }
0x259: {  	[tilespmem:s11], [sflag:$0x1] =	stream.indirect_vreg.gather [hbm4b:s2+s3], $0x80, v4, vm0, $0xb8;
	[tilespmem:$0x18200] =	vst v63  }
0x25a: {  	s12 =	simm.s32 $0x14A00;
	v3 =	vperm.xlane v3, v2  }
0x25b: {  	[tilespmem:s12], [sflag:$0x1] =	stream.indirect_vreg.gather [hbm4b:s5+s3], $0x80, v4, vm0, $0xb8;
	[tilespmem:$0x18200] =	vst v63  }
0x25c: {  	s13 =	simm.s32 $0x15200;
	v3 =	vadd.s32 v1, v3  }
0x25d: {  	[tilespmem:s13], [sflag:$0x1] =	stream.indirect_vreg.gather [hbm4b:s6+s3], $0x80, v4, vm0, $0xb8;
	[tilespmem:$0x18200] =	vst v63  }
0x25e: {  	s14 =	simm.s32 $0x15A00  }
0x25f: {  	[tilespmem:s14], [sflag:$0x1] =	stream.indirect_vreg.gather [hbm4b:s7+s3], $0x80, v4, vm0, $0xb8;
	[tilespmem:$0x18200] =	vst v63  }
0x260: {  	s15 =	simm.s32 $0x16200  }
0x261: {  	[tilespmem:s15], [sflag:$0x1] =	stream.indirect_vreg.gather [hbm4b:s2+s3], $0x80, v3, vm0, $0xb8;
	[tilespmem:$0x18200] =	vst v63  }
0x262: {  	s16 =	simm.s32 $0x16A00  }
0x263: {  	[tilespmem:s16], [sflag:$0x1] =	stream.indirect_vreg.gather [hbm4b:s5+s3], $0x80, v3, vm0, $0xb8;
	[tilespmem:$0x18200] =	vst v63  }
0x264: {  	s17 =	simm.s32 $0x17200  }
0x265: {  	[tilespmem:s17], [sflag:$0x1] =	stream.indirect_vreg.gather [hbm4b:s6+s3], $0x80, v3, vm0, $0xb8;
	[tilespmem:$0x18200] =	vst v63  }
0x266: {  	s18 =	simm.s32 $0x17A00  }
0x267: {  	[tilespmem:s18], [sflag:$0x1] =	stream.indirect_vreg.gather [hbm4b:s7+s3], $0x80, v3, vm0, $0xb8;
	[tilespmem:$0x18200] =	vst v63  }
0x268: {  	_ =	swait.ge [sflag:s10], $0x8000  }
0x269: {  	[sflag:s10] =	ssyncset.done $0x0  }
0x26a: {  	s19 =	rddreg [dreg:$0xe];
	[sflag:s10] =	ssyncadd.s32 $0xFFFF8000  }
0x26b: {  	[hbm4b:s19+s3] =	stream.linear.scatter [tilespmem:s28], [sflag:$0x2], $0x8000, $0x38;
	[tilespmem:$0x18200] =	vst v63  }
0x26c: {  	_ =	swait.ge [sflag:s0], $0x8000  }
0x26d: {  	[sflag:s0] =	ssyncset.done $0x0  }
0x26e: {  	[sflag:s0] =	ssyncadd.s32 $0xFFFF8000  }
0x26f: {  	v3 =	vld [tilespmem:$0x180];
	_ =	sdelay $0x4  }
0x270: {  	v56 =	vshll.u32 v3, $0x3  }
0x271: {  	v3 =	vand.u32 $0x7, v3;
	v4 =	vand.u32 $0xFFFFFFC0, v56  }
0x272: {  	v3 =	vor.u32 v3, v4  }
0x273: {  	v4 =	vperm.xlane v3, v0;
	_ =	sdelay $0x1  }
0x274: {  	v4 =	vadd.s32 v1, v4;
	_ =	sdelay $0x4  }
0x275: {  	[tilespmem:s9], [sflag:$0x1] =	stream.indirect_vreg.gather [hbm4b:s2+s3], $0x80, v4, vm0, $0xb8;
	[tilespmem:$0x18200] =	vst v63  }
0x276: {  	s14 =	simm.s32 $0xA00;
	v3 =	vperm.xlane v3, v2  }
0x277: {  	[tilespmem:s14], [sflag:$0x1] =	stream.indirect_vreg.gather [hbm4b:s5+s3], $0x80, v4, vm0, $0xb8;
	[tilespmem:$0x18200] =	vst v63  }
0x278: {  	s26 =	simm.s32 $0x1200;
	v3 =	vadd.s32 v1, v3  }
0x279: {  	[tilespmem:s26], [sflag:$0x1] =	stream.indirect_vreg.gather [hbm4b:s6+s3], $0x80, v4, vm0, $0xb8;
	[tilespmem:$0x18200] =	vst v63  }
0x27a: {  	s15 =	simm.s32 $0x1A00  }
0x27b: {  	[tilespmem:s15], [sflag:$0x1] =	stream.indirect_vreg.gather [hbm4b:s7+s3], $0x80, v4, vm0, $0xb8;
	[tilespmem:$0x18200] =	vst v63  }
0x27c: {  	s16 =	simm.s32 $0x2200  }
0x27d: {  	[tilespmem:s16], [sflag:$0x1] =	stream.indirect_vreg.gather [hbm4b:s2+s3], $0x80, v3, vm0, $0xb8;
	[tilespmem:$0x18200] =	vst v63  }
0x27e: {  	s17 =	simm.s32 $0x2A00  }
0x27f: {  	[tilespmem:s17], [sflag:$0x1] =	stream.indirect_vreg.gather [hbm4b:s5+s3], $0x80, v3, vm0, $0xb8;
	[tilespmem:$0x18200] =	vst v63  }
0x280: {  	s18 =	simm.s32 $0x3200  }
0x281: {  	[tilespmem:s18], [sflag:$0x1] =	stream.indirect_vreg.gather [hbm4b:s6+s3], $0x80, v3, vm0, $0xb8;
	[tilespmem:$0x18200] =	vst v63  }
0x282: {  	s19 =	simm.s32 $0x3A00  }
0x283: {  	[tilespmem:s19], [sflag:$0x1] =	stream.indirect_vreg.gather [hbm4b:s7+s3], $0x80, v3, vm0, $0xb8;
	[tilespmem:$0x18200] =	vst v63  }
0x284: {  	v3 =	vld [tilespmem:$0x190];
	_ =	sdelay $0x4  }
0x285: {  	v57 =	vshll.u32 v3, $0x3  }
0x286: {  	v3 =	vand.u32 $0x7, v3;
	v4 =	vand.u32 $0xFFFFFFC0, v57  }
0x287: {  	v3 =	vor.u32 v3, v4  }
0x288: {  	v4 =	vperm.xlane v3, v0;
	_ =	sdelay $0x1  }
0x289: {  	v4 =	vadd.s32 v1, v4;
	_ =	sdelay $0x3  }
0x28a: {  	s18 =	simm.s32 $0x4200  }
0x28b: {  	[tilespmem:s18], [sflag:$0x1] =	stream.indirect_vreg.gather [hbm4b:s2+s3], $0x80, v4, vm0, $0xb8;
	[tilespmem:$0x18200] =	vst v63  }
0x28c: {  	s19 =	simm.s32 $0x4A00;
	v3 =	vperm.xlane v3, v2  }
0x28d: {  	[tilespmem:s19], [sflag:$0x1] =	stream.indirect_vreg.gather [hbm4b:s5+s3], $0x80, v4, vm0, $0xb8;
	[tilespmem:$0x18200] =	vst v63  }
0x28e: {  	s20 =	simm.s32 $0x5200;
	v3 =	vadd.s32 v1, v3  }
0x28f: {  	[tilespmem:s20], [sflag:$0x1] =	stream.indirect_vreg.gather [hbm4b:s6+s3], $0x80, v4, vm0, $0xb8;
	[tilespmem:$0x18200] =	vst v63  }
0x290: {  	s21 =	simm.s32 $0x5A00  }
0x291: {  	[tilespmem:s21], [sflag:$0x1] =	stream.indirect_vreg.gather [hbm4b:s7+s3], $0x80, v4, vm0, $0xb8;
	[tilespmem:$0x18200] =	vst v63  }
0x292: {  	s21 =	simm.s32 $0x6200  }
0x293: {  	[tilespmem:s21], [sflag:$0x1] =	stream.indirect_vreg.gather [hbm4b:s2+s3], $0x80, v3, vm0, $0xb8;
	[tilespmem:$0x18200] =	vst v63  }
0x294: {  	s19 =	simm.s32 $0x6A00  }
0x295: {  	[tilespmem:s19], [sflag:$0x1] =	stream.indirect_vreg.gather [hbm4b:s5+s3], $0x80, v3, vm0, $0xb8;
	[tilespmem:$0x18200] =	vst v63  }
0x296: {  	s1 =	simm.s32 $0x7200  }
0x297: {  	[tilespmem:s1], [sflag:$0x1] =	stream.indirect_vreg.gather [hbm4b:s6+s3], $0x80, v3, vm0, $0xb8;
	[tilespmem:$0x18200] =	vst v63  }
0x298: {  	s1 =	simm.s32 $0x7A00  }
0x299: {  	[tilespmem:s1], [sflag:$0x1] =	stream.indirect_vreg.gather [hbm4b:s7+s3], $0x80, v3, vm0, $0xb8;
	[tilespmem:$0x18200] =	vst v63  }
0x29a: {  	_ =	swait.ge [sflag:s10], $0x8000  }
0x29b: {  	[sflag:s10] =	ssyncset.done $0x0  }
0x29c: {  	s1 =	rddreg [dreg:$0xf];
	[sflag:s10] =	ssyncadd.s32 $0xFFFF8000  }
0x29d: {  	[hbm4b:s1+s3] =	stream.linear.scatter [tilespmem:s24], [sflag:$0x2], $0x8000, $0x38;
	[tilespmem:$0x18200] =	vst v63  }
0x29e: {  	_ =	swait.ge [sflag:s0], $0x8000  }
0x29f: {  	[sflag:s0] =	ssyncset.done $0x0  }
0x2a0: {  	[sflag:s0] =	ssyncadd.s32 $0xFFFF8000  }
0x2a1: {  	v3 =	vld [tilespmem:$0x1A0];
	_ =	sdelay $0x4  }
0x2a2: {  	v58 =	vshll.u32 v3, $0x3  }
0x2a3: {  	v3 =	vand.u32 $0x7, v3;
	v4 =	vand.u32 $0xFFFFFFC0, v58  }
0x2a4: {  	v3 =	vor.u32 v3, v4  }
0x2a5: {  	v4 =	vperm.xlane v3, v0;
	_ =	sdelay $0x1  }
0x2a6: {  	v4 =	vadd.s32 v1, v4;
	_ =	sdelay $0x4  }
0x2a7: {  	[tilespmem:s28], [sflag:$0x1] =	stream.indirect_vreg.gather [hbm4b:s2+s3], $0x80, v4, vm0, $0xb8;
	[tilespmem:$0x18200] =	vst v63  }
0x2a8: {  	s1 =	simm.s32 $0x8A00;
	v3 =	vperm.xlane v3, v2  }
0x2a9: {  	[tilespmem:s1], [sflag:$0x1] =	stream.indirect_vreg.gather [hbm4b:s5+s3], $0x80, v4, vm0, $0xb8;
	[tilespmem:$0x18200] =	vst v63  }
0x2aa: {  	v3 =	vadd.s32 v1, v3;
	s1 =	simm.s32 $0x9200  }
0x2ab: {  	[tilespmem:s1], [sflag:$0x1] =	stream.indirect_vreg.gather [hbm4b:s6+s3], $0x80, v4, vm0, $0xb8;
	[tilespmem:$0x18200] =	vst v63  }
0x2ac: {  	s1 =	simm.s32 $0x9A00  }
0x2ad: {  	[tilespmem:s1], [sflag:$0x1] =	stream.indirect_vreg.gather [hbm4b:s7+s3], $0x80, v4, vm0, $0xb8;
	[tilespmem:$0x18200] =	vst v63  }
0x2ae: {  	s1 =	simm.s32 $0xA200  }
0x2af: {  	[tilespmem:s1], [sflag:$0x1] =	stream.indirect_vreg.gather [hbm4b:s2+s3], $0x80, v3, vm0, $0xb8;
	[tilespmem:$0x18200] =	vst v63  }
0x2b0: {  	s1 =	simm.s32 $0xAA00  }
0x2b1: {  	[tilespmem:s1], [sflag:$0x1] =	stream.indirect_vreg.gather [hbm4b:s5+s3], $0x80, v3, vm0, $0xb8;
	[tilespmem:$0x18200] =	vst v63  }
0x2b2: {  	s1 =	simm.s32 $0xB200  }
0x2b3: {  	[tilespmem:s1], [sflag:$0x1] =	stream.indirect_vreg.gather [hbm4b:s6+s3], $0x80, v3, vm0, $0xb8;
	[tilespmem:$0x18200] =	vst v63  }
0x2b4: {  	s1 =	simm.s32 $0xBA00  }
0x2b5: {  	[tilespmem:s1], [sflag:$0x1] =	stream.indirect_vreg.gather [hbm4b:s7+s3], $0x80, v3, vm0, $0xb8;
	[tilespmem:$0x18200] =	vst v63  }
0x2b6: {  	v3 =	vld [tilespmem:$0x1B0];
	_ =	sdelay $0x4  }
0x2b7: {  	v59 =	vshll.u32 v3, $0x3  }
0x2b8: {  	v3 =	vand.u32 $0x7, v3;
	v4 =	vand.u32 $0xFFFFFFC0, v59  }
0x2b9: {  	v3 =	vor.u32 v3, v4  }
0x2ba: {  	v4 =	vperm.xlane v3, v0;
	_ =	sdelay $0x1  }
0x2bb: {  	v4 =	vadd.s32 v1, v4;
	_ =	sdelay $0x3  }
0x2bc: {  	s1 =	simm.s32 $0xC200  }
0x2bd: {  	[tilespmem:s1], [sflag:$0x1] =	stream.indirect_vreg.gather [hbm4b:s2+s3], $0x80, v4, vm0, $0xb8;
	[tilespmem:$0x18200] =	vst v63  }
0x2be: {  	v3 =	vperm.xlane v3, v2;
	s1 =	simm.s32 $0xCA00  }
0x2bf: {  	[tilespmem:s1], [sflag:$0x1] =	stream.indirect_vreg.gather [hbm4b:s5+s3], $0x80, v4, vm0, $0xb8;
	[tilespmem:$0x18200] =	vst v63  }
0x2c0: {  	v3 =	vadd.s32 v1, v3;
	s1 =	simm.s32 $0xD200  }
0x2c1: {  	[tilespmem:s1], [sflag:$0x1] =	stream.indirect_vreg.gather [hbm4b:s6+s3], $0x80, v4, vm0, $0xb8;
	[tilespmem:$0x18200] =	vst v63  }
0x2c2: {  	s1 =	simm.s32 $0xDA00  }
0x2c3: {  	[tilespmem:s1], [sflag:$0x1] =	stream.indirect_vreg.gather [hbm4b:s7+s3], $0x80, v4, vm0, $0xb8;
	[tilespmem:$0x18200] =	vst v63  }
0x2c4: {  	s1 =	simm.s32 $0xE200  }
0x2c5: {  	[tilespmem:s1], [sflag:$0x1] =	stream.indirect_vreg.gather [hbm4b:s2+s3], $0x80, v3, vm0, $0xb8;
	[tilespmem:$0x18200] =	vst v63  }
0x2c6: {  	s1 =	simm.s32 $0xEA00  }
0x2c7: {  	[tilespmem:s1], [sflag:$0x1] =	stream.indirect_vreg.gather [hbm4b:s5+s3], $0x80, v3, vm0, $0xb8;
	[tilespmem:$0x18200] =	vst v63  }
0x2c8: {  	s1 =	simm.s32 $0xF200  }
0x2c9: {  	[tilespmem:s1], [sflag:$0x1] =	stream.indirect_vreg.gather [hbm4b:s6+s3], $0x80, v3, vm0, $0xb8;
	[tilespmem:$0x18200] =	vst v63  }
0x2ca: {  	s1 =	simm.s32 $0xFA00  }
0x2cb: {  	[tilespmem:s1], [sflag:$0x1] =	stream.indirect_vreg.gather [hbm4b:s7+s3], $0x80, v3, vm0, $0xb8;
	[tilespmem:$0x18200] =	vst v63  }
0x2cc: {  	_ =	swait.ge [sflag:s10], $0x8000  }
0x2cd: {  	[sflag:s10] =	ssyncset.done $0x0  }
0x2ce: {  	s1 =	rddreg [dreg:$0x10];
	[sflag:s10] =	ssyncadd.s32 $0xFFFF8000  }
0x2cf: {  	[hbm4b:s1+s3] =	stream.linear.scatter [tilespmem:s9], [sflag:$0x2], $0x8000, $0x38;
	[tilespmem:$0x18200] =	vst v63  }
0x2d0: {  	_ =	swait.ge [sflag:s0], $0x8000  }
0x2d1: {  	[sflag:s0] =	ssyncset.done $0x0  }
0x2d2: {  	[sflag:s0] =	ssyncadd.s32 $0xFFFF8000  }
0x2d3: {  	v3 =	vld [tilespmem:$0x1C0];
	_ =	sdelay $0x4  }
0x2d4: {  	v60 =	vshll.u32 v3, $0x3  }
0x2d5: {  	v3 =	vand.u32 $0x7, v3;
	v4 =	vand.u32 $0xFFFFFFC0, v60  }
0x2d6: {  	v3 =	vor.u32 v3, v4  }
0x2d7: {  	v4 =	vperm.xlane v3, v0;
	_ =	sdelay $0x1  }
0x2d8: {  	v4 =	vadd.s32 v1, v4;
	_ =	sdelay $0x4  }
0x2d9: {  	[tilespmem:s24], [sflag:$0x1] =	stream.indirect_vreg.gather [hbm4b:s2+s3], $0x80, v4, vm0, $0xb8;
	[tilespmem:$0x18200] =	vst v63  }
0x2da: {  	s1 =	simm.s32 $0x10A00;
	v3 =	vperm.xlane v3, v2  }
0x2db: {  	[tilespmem:s1], [sflag:$0x1] =	stream.indirect_vreg.gather [hbm4b:s5+s3], $0x80, v4, vm0, $0xb8;
	[tilespmem:$0x18200] =	vst v63  }
0x2dc: {  	s22 =	simm.s32 $0x11200;
	v3 =	vadd.s32 v1, v3  }
0x2dd: {  	[tilespmem:s22], [sflag:$0x1] =	stream.indirect_vreg.gather [hbm4b:s6+s3], $0x80, v4, vm0, $0xb8;
	[tilespmem:$0x18200] =	vst v63  }
0x2de: {  	s23 =	simm.s32 $0x11A00  }
0x2df: {  	[tilespmem:s23], [sflag:$0x1] =	stream.indirect_vreg.gather [hbm4b:s7+s3], $0x80, v4, vm0, $0xb8;
	[tilespmem:$0x18200] =	vst v63  }
0x2e0: {  	s25 =	simm.s32 $0x12200  }
0x2e1: {  	[tilespmem:s25], [sflag:$0x1] =	stream.indirect_vreg.gather [hbm4b:s2+s3], $0x80, v3, vm0, $0xb8;
	[tilespmem:$0x18200] =	vst v63  }
0x2e2: {  	s29 =	simm.s32 $0x12A00  }
0x2e3: {  	[tilespmem:s29], [sflag:$0x1] =	stream.indirect_vreg.gather [hbm4b:s5+s3], $0x80, v3, vm0, $0xb8;
	[tilespmem:$0x18200] =	vst v63  }
0x2e4: {  	s30 =	simm.s32 $0x13200  }
0x2e5: {  	[tilespmem:s30], [sflag:$0x1] =	stream.indirect_vreg.gather [hbm4b:s6+s3], $0x80, v3, vm0, $0xb8;
	[tilespmem:$0x18200] =	vst v63  }
0x2e6: {  	s25 =	simm.s32 $0x13A00  }
0x2e7: {  	[tilespmem:s25], [sflag:$0x1] =	stream.indirect_vreg.gather [hbm4b:s7+s3], $0x80, v3, vm0, $0xb8;
	[tilespmem:$0x18200] =	vst v63  }
0x2e8: {  	v3 =	vld [tilespmem:$0x1D0];
	_ =	sdelay $0x4  }
0x2e9: {  	v61 =	vshll.u32 v3, $0x3  }
0x2ea: {  	v3 =	vand.u32 $0x7, v3;
	v4 =	vand.u32 $0xFFFFFFC0, v61  }
0x2eb: {  	v3 =	vor.u32 v3, v4  }
0x2ec: {  	v4 =	vperm.xlane v3, v0;
	_ =	sdelay $0x1  }
0x2ed: {  	v4 =	vadd.s32 v1, v4;
	_ =	sdelay $0x3  }
0x2ee: {  	s29 =	simm.s32 $0x14200  }
0x2ef: {  	[tilespmem:s29], [sflag:$0x1] =	stream.indirect_vreg.gather [hbm4b:s2+s3], $0x80, v4, vm0, $0xb8;
	[tilespmem:$0x18200] =	vst v63  }
0x2f0: {  	s30 =	simm.s32 $0x14A00;
	v3 =	vperm.xlane v3, v2  }
0x2f1: {  	[tilespmem:s30], [sflag:$0x1] =	stream.indirect_vreg.gather [hbm4b:s5+s3], $0x80, v4, vm0, $0xb8;
	[tilespmem:$0x18200] =	vst v63  }
0x2f2: {  	s31 =	simm.s32 $0x15200;
	v3 =	vadd.s32 v1, v3  }
0x2f3: {  	[tilespmem:s31], [sflag:$0x1] =	stream.indirect_vreg.gather [hbm4b:s6+s3], $0x80, v4, vm0, $0xb8;
	[tilespmem:$0x18200] =	vst v63  }
0x2f4: {  	s4 =	simm.s32 $0x15A00  }
0x2f5: {  	[tilespmem:s4], [sflag:$0x1] =	stream.indirect_vreg.gather [hbm4b:s7+s3], $0x80, v4, vm0, $0xb8;
	[tilespmem:$0x18200] =	vst v63  }
0x2f6: {  	s11 =	simm.s32 $0x16200  }
0x2f7: {  	[tilespmem:s11], [sflag:$0x1] =	stream.indirect_vreg.gather [hbm4b:s2+s3], $0x80, v3, vm0, $0xb8;
	[tilespmem:$0x18200] =	vst v63  }
0x2f8: {  	s12 =	simm.s32 $0x16A00  }
0x2f9: {  	[tilespmem:s12], [sflag:$0x1] =	stream.indirect_vreg.gather [hbm4b:s5+s3], $0x80, v3, vm0, $0xb8;
	[tilespmem:$0x18200] =	vst v63  }
0x2fa: {  	s13 =	simm.s32 $0x17200  }
0x2fb: {  	[tilespmem:s13], [sflag:$0x1] =	stream.indirect_vreg.gather [hbm4b:s6+s3], $0x80, v3, vm0, $0xb8;
	[tilespmem:$0x18200] =	vst v63  }
0x2fc: {  	s11 =	simm.s32 $0x17A00  }
0x2fd: {  	[tilespmem:s11], [sflag:$0x1] =	stream.indirect_vreg.gather [hbm4b:s7+s3], $0x80, v3, vm0, $0xb8;
	[tilespmem:$0x18200] =	vst v63  }
0x2fe: {  	_ =	swait.ge [sflag:s10], $0x8000  }
0x2ff: {  	[sflag:s10] =	ssyncset.done $0x0  }
0x300: {  	s12 =	rddreg [dreg:$0x11];
	[sflag:s10] =	ssyncadd.s32 $0xFFFF8000  }
0x301: {  	[hbm4b:s12+s3] =	stream.linear.scatter [tilespmem:s28], [sflag:$0x2], $0x8000, $0x38;
	[tilespmem:$0x18200] =	vst v63  }
0x302: {  	_ =	swait.ge [sflag:s0], $0x8000  }
0x303: {  	[sflag:s0] =	ssyncset.done $0x0  }
0x304: {  	[sflag:s0] =	ssyncadd.s32 $0xFFFF8000  }
0x305: {  	v3 =	vld [tilespmem:$0x1E0];
	_ =	sdelay $0x4  }
0x306: {  	v62 =	vshll.u32 v3, $0x3  }
0x307: {  	v3 =	vand.u32 $0x7, v3;
	v4 =	vand.u32 $0xFFFFFFC0, v62  }
0x308: {  	v3 =	vor.u32 v3, v4  }
0x309: {  	v4 =	vperm.xlane v3, v0;
	_ =	sdelay $0x1  }
0x30a: {  	v4 =	vadd.s32 v1, v4;
	_ =	sdelay $0x4  }
0x30b: {  	[tilespmem:s9], [sflag:$0x1] =	stream.indirect_vreg.gather [hbm4b:s2+s3], $0x80, v4, vm0, $0xb8;
	[tilespmem:$0x18200] =	vst v63  }
0x30c: {  	s13 =	simm.s32 $0xA00;
	v3 =	vperm.xlane v3, v2  }
0x30d: {  	[tilespmem:s13], [sflag:$0x1] =	stream.indirect_vreg.gather [hbm4b:s5+s3], $0x80, v4, vm0, $0xb8;
	[tilespmem:$0x18200] =	vst v63  }
0x30e: {  	s14 =	simm.s32 $0x1200;
	v3 =	vadd.s32 v1, v3  }
0x30f: {  	[tilespmem:s14], [sflag:$0x1] =	stream.indirect_vreg.gather [hbm4b:s6+s3], $0x80, v4, vm0, $0xb8;
	[tilespmem:$0x18200] =	vst v63  }
0x310: {  	s26 =	simm.s32 $0x1A00  }
0x311: {  	[tilespmem:s26], [sflag:$0x1] =	stream.indirect_vreg.gather [hbm4b:s7+s3], $0x80, v4, vm0, $0xb8;
	[tilespmem:$0x18200] =	vst v63  }
0x312: {  	s15 =	simm.s32 $0x2200  }
0x313: {  	[tilespmem:s15], [sflag:$0x1] =	stream.indirect_vreg.gather [hbm4b:s2+s3], $0x80, v3, vm0, $0xb8;
	[tilespmem:$0x18200] =	vst v63  }
0x314: {  	s16 =	simm.s32 $0x2A00  }
0x315: {  	[tilespmem:s16], [sflag:$0x1] =	stream.indirect_vreg.gather [hbm4b:s5+s3], $0x80, v3, vm0, $0xb8;
	[tilespmem:$0x18200] =	vst v63  }
0x316: {  	s17 =	simm.s32 $0x3200  }
0x317: {  	[tilespmem:s17], [sflag:$0x1] =	stream.indirect_vreg.gather [hbm4b:s6+s3], $0x80, v3, vm0, $0xb8;
	[tilespmem:$0x18200] =	vst v63  }
0x318: {  	s22 =	simm.s32 $0x3A00  }
0x319: {  	[tilespmem:s22], [sflag:$0x1] =	stream.indirect_vreg.gather [hbm4b:s7+s3], $0x80, v3, vm0, $0xb8;
	[tilespmem:$0x18200] =	vst v63  }
0x31a: {  	v3 =	vld [tilespmem:$0x1F0];
	_ =	sdelay $0x4  }
0x31b: {  	v63 =	vshll.u32 v3, $0x3  }
0x31c: {  	v3 =	vand.u32 $0x7, v3;
	v4 =	vand.u32 $0xFFFFFFC0, v63  }
0x31d: {  	v3 =	vor.u32 v3, v4  }
0x31e: {  	v4 =	vperm.xlane v3, v0;
	_ =	sdelay $0x1  }
0x31f: {  	v4 =	vadd.s32 v1, v4;
	_ =	sdelay $0x3  }
0x320: {  	s23 =	simm.s32 $0x4200  }
0x321: {  	[tilespmem:s23], [sflag:$0x1] =	stream.indirect_vreg.gather [hbm4b:s2+s3], $0x80, v4, vm0, $0xb8;
	[tilespmem:$0x18200] =	vst v63  }
0x322: {  	s25 =	simm.s32 $0x4A00;
	v3 =	vperm.xlane v3, v2  }
0x323: {  	[tilespmem:s25], [sflag:$0x1] =	stream.indirect_vreg.gather [hbm4b:s5+s3], $0x80, v4, vm0, $0xb8;
	[tilespmem:$0x18200] =	vst v63  }
0x324: {  	s18 =	simm.s32 $0x5200;
	v3 =	vadd.s32 v1, v3  }
0x325: {  	[tilespmem:s18], [sflag:$0x1] =	stream.indirect_vreg.gather [hbm4b:s6+s3], $0x80, v4, vm0, $0xb8;
	[tilespmem:$0x18200] =	vst v63  }
0x326: {  	s20 =	simm.s32 $0x5A00  }
0x327: {  	[tilespmem:s20], [sflag:$0x1] =	stream.indirect_vreg.gather [hbm4b:s7+s3], $0x80, v4, vm0, $0xb8;
	[tilespmem:$0x18200] =	vst v63  }
0x328: {  	s21 =	simm.s32 $0x6200  }
0x329: {  	[tilespmem:s21], [sflag:$0x1] =	stream.indirect_vreg.gather [hbm4b:s2+s3], $0x80, v3, vm0, $0xb8;
	[tilespmem:$0x18200] =	vst v63  }
0x32a: {  	s19 =	simm.s32 $0x6A00  }
0x32b: {  	[tilespmem:s19], [sflag:$0x1] =	stream.indirect_vreg.gather [hbm4b:s5+s3], $0x80, v3, vm0, $0xb8;
	[tilespmem:$0x18200] =	vst v63  }
0x32c: {  	s26 =	simm.s32 $0x7200  }
0x32d: {  	[tilespmem:s26], [sflag:$0x1] =	stream.indirect_vreg.gather [hbm4b:s6+s3], $0x80, v3, vm0, $0xb8;
	[tilespmem:$0x18200] =	vst v63  }
0x32e: {  	s29 =	simm.s32 $0x7A00  }
0x32f: {  	[tilespmem:s29], [sflag:$0x1] =	stream.indirect_vreg.gather [hbm4b:s7+s3], $0x80, v3, vm0, $0xb8;
	[tilespmem:$0x18200] =	vst v63  }
0x330: {  	_ =	swait.ge [sflag:s10], $0x8000  }
0x331: {  	[sflag:s10] =	ssyncset.done $0x0  }
0x332: {  	s30 =	rddreg [dreg:$0x12];
	[sflag:s10] =	ssyncadd.s32 $0xFFFF8000  }
0x333: {  	[hbm4b:s30+s3] =	stream.linear.scatter [tilespmem:s24], [sflag:$0x2], $0x8000, $0x38;
	[tilespmem:$0x18200] =	vst v63  }
0x334: {  	_ =	swait.ge [sflag:s10], $0x8000  }
0x335: {  	[sflag:s10] =	ssyncset.done $0x0  }
0x336: {  	s31 =	rddreg [dreg:$0x13];
	[sflag:s10] =	ssyncadd.s32 $0xFFFF8000  }
0x337: {  	[hbm4b:s31+s3] =	stream.linear.scatter [tilespmem:s9], [sflag:$0x2], $0x8000, $0x38;
	[tilespmem:$0x18200] =	vst v63  }
0x338: {  	_ =	swait.ge [sflag:s0], $0x8000  }
0x339: {  	[sflag:s0] =	ssyncset.done $0x0  }
0x33a: {  	[sflag:s0] =	ssyncadd.s32 $0xFFFF8000  }
0x33b: {  	p0 =	sne.s32 s8, $0x1;
	_ =	swait.ge [sflag:s0], $0x8000  }
.Ltmp0:
0x33c: {  	[sflag:s0] =	ssyncset.done $0x0;
	(pc) =	sbr.rel @p0 .LBB2_1-.Ltmp0, $4  }
0x33d: {  	[sflag:s0] =	ssyncadd.s32 $0xFFFF8000  }
0x33e: {  	_ =	swait.ge [sflag:s0], $0x8000  }
0x33f: {  	[sflag:s0] =	ssyncset.done $0x0  }
0x340: {  	s8 =	sadd.s32 $0xFFFFFFFF, s8;
	[sflag:s0] =	ssyncadd.s32 $0xFFFF8000  }
0x341: {  	_ =	sfence.sel $0x180000  }
0x342: {  	[bflag:$0x0] =	sbarrier.arrive $0xFFFF  }
0x343: {  	_ =	strace $0x90000047  }
0x344: {  	s0 =	stileid.u32;
	[bflag:$0x2] =	sbarrier.arrive $0xFFFF  }
0x345: {  	p0 =	sne.s32 s0, $0x0;
	s0 =	rddreg [dreg:$0x3]  }
0x346: {  	s0 =	sadd.s32 @!p0 $0x100000, s0  }
0x347: {  	[sflag:s0] =	ssyncadd.tile.s32 @!p0 $0x1;
	_ =	shalt  }
.Lfunc_end2:
_tile_overlayer_lowered:
.L_overlay_start_2:
0x348: {  	(tag) =	ssettag $0x2  }
0x349: {  	s0 =	rddreg [dreg:$0x0];
	s2 =	stileid.u32  }
0x34a: {  	s1 =	rddreg [dreg:$0x1];
	p0 =	sne.s32 s2, $0x0  }
0x34b: {  	s3 =	rddreg [dreg:$0x2];
	[bflag:$0x3] =	sbarrier.arrive $0xFFFF;
	s2 =	simm.s32 @!p0 $0x1C03  }
0x34c: {  	[timem:s3], [sflag:s2] =	dma.local @!p0 [hbm:s0], s1  }
0x34d: {  	s0 =	simm.s32 @!p0 $0x3  }
0x34e: {  	_ =	swait.ge @!p0 [sflag:s0], s1  }
0x34f: {  	s1 =	ssub.s32 @!p0 $0x0, s1;
	[sflag:s0] =	ssyncset.done @!p0 $0x0  }
0x350: {  	[sflag:s0] =	ssyncadd.s32 @!p0 s1  }
0x351: {  	[bflag:$0x3] =	sbarrier.arrive $0xFFFF  }
0x352: {  	_ =	shalt  }

</sc_bundles>
